<compile_context>
chip_gen: v7x
topology: tpu7x:2x2x1
jax: 0.10.2.dev20260603
libtpu: 0.0.44.dev20260713+nightly
codegen_flags: <defaults>
</compile_context>

<pallas_src>
import math

import numpy as np
import jax
import jax.numpy as jnp
from jax import lax
from jax.experimental import pallas as pl
from jax.experimental.pallas import tpu as pltpu
from jax.experimental.pallas import tpu_sc as plsc

B, C, H = 2, 4, 256
HID, G, NB = 256, 8, 16
HW = H * H
T = HW // G
FD = 4 * NB
CH = C + HID
XW = C * G
WIDTH = XW + G


def _hilbert_order(size):
    x = np.tile(np.arange(size, dtype=np.int64), size)
    y = np.repeat(np.arange(size, dtype=np.int64), size)
    d = np.zeros(size * size, dtype=np.int64)
    s = size >> 1
    while s > 0:
        rx = ((x & s) > 0).astype(np.int64)
        ry = ((y & s) > 0).astype(np.int64)
        d += s * s * ((3 * rx) ^ ry)
        swap = ry == 0
        flip = swap & (rx == 1)
        xf = np.where(flip, s - 1 - x, x)
        yf = np.where(flip, s - 1 - y, y)
        x, y = np.where(swap, yf, xf), np.where(swap, xf, yf)
        s >>= 1
    return np.argsort(d)


_ORDER_NP = _hilbert_order(H)

def _fourier_np():
    ax = np.arange(H, dtype=np.float32)
    yy, xx = np.meshgrid(ax, ax, indexing='ij')
    xn = (xx / (H - 1) * 2.0 - 1.0).astype(np.float32)
    yn = (yy / (H - 1) * 2.0 - 1.0).astype(np.float32)
    coords = np.stack([xn, yn], axis=-1).reshape(-1, 2)
    freqs = (2.0 ** np.arange(NB, dtype=np.float32)) * math.pi
    proj = coords[:, :, None] * freqs[None, None, :]
    four = np.concatenate([np.sin(proj), np.cos(proj)], axis=-1)
    return four.reshape(HW, FD).astype(np.float32)

_FOURIER_G = np.ascontiguousarray(
    _fourier_np()[_ORDER_NP].reshape(T, G, FD).transpose(1, 0, 2))
_ORDER32 = np.ascontiguousarray(
    np.concatenate([_ORDER_NP, np.zeros(3 * 21888 - HW, np.int64)])
    .astype(np.int32))

_XROWS = np.array([(col % G) * CH + col // G for col in range(XW)], np.int32)


_NC, _NS = 2, 16
_NW = _NC * _NS
_TCH = T // (_NW // B)
_PCH = _TCH * G


_OUTM = 128
_NROW = C + 1
_NTHIRD = 3
_NTT = 2736
_NPT = _NTT * G
_TPAD = 8224


def _sc_gather(xc, order):
    mesh = plsc.VectorSubcoreMesh(core_axis_name="c", subcore_axis_name="s")

    def body(xc_ref, order_ref, out_ref, idxv, rowbuf, outbuf):
        wid = lax.axis_index("s") * _NC + lax.axis_index("c")
        b = wid // (_NW // B)
        sub = wid % (_NW // B)
        r = sub // _NTHIRD
        q = sub % _NTHIRD
        lane = lax.iota(jnp.int32, 16)
        lanehigh = lane // G
        lanelow = lane % G

        @pl.when(r < _NROW)
        def _():
            pltpu.sync_copy(order_ref.at[pl.ds(q * _NPT, _NPT)], idxv)
            pltpu.sync_copy(xc_ref.at[b, r], rowbuf)

            @plsc.parallel_loop(0, _NPT // 16, unroll=4)
            def _(i):
                idx = idxv[pl.ds(i * 16, 16)]
                vals = plsc.load_gather(rowbuf, [idx])
                rows = i * 2 + lanehigh
                plsc.store_scatter(outbuf, [rows, lanelow], vals)

            pltpu.sync_copy(
                outbuf,
                out_ref.at[b, pl.ds(q * _NTT, _NTT), pl.ds(r * G, G)])

    return pl.kernel(
        body,
        mesh=mesh,
        out_type=jax.ShapeDtypeStruct((B, _TPAD, _OUTM), jnp.float32),
        scratch_types=[
            pltpu.VMEM((_NPT,), jnp.int32),
            pltpu.VMEM((HW,), jnp.float32),
            pltpu.VMEM((_NTT, G), jnp.float32),
        ],
        compiler_params=pltpu.CompilerParams(needs_layout_passes=False,
                                             use_tc_tiling_on_sc=False),
    )(xc, order)


_TBLK = 1024


def _coord_body(ftg_ref, w1_ref, b1_ref, w2_ref, wp_ref, b2_ref, bp_ref,
                cf_ref, m_scr, cv_scr):
    @pl.when(pl.program_id(0) == 0)
    def _():
        w2b = w2_ref[...].astype(jnp.bfloat16)
        cv = bp_ref[...]
        for g in range(G):
            wpg = wp_ref[pl.ds(g * CH + C, HID), :]
            m_scr[g] = jnp.dot(
                w2b, wpg.astype(jnp.bfloat16),
                preferred_element_type=jnp.float32).astype(jnp.bfloat16)
            cv = cv + jnp.dot(b2_ref[...], wpg,
                              preferred_element_type=jnp.float32)
        cv_scr[...] = cv

    acc = jnp.broadcast_to(cv_scr[...], (_TBLK, HID))
    for g in range(G):
        z = jnp.dot(ftg_ref[g], w1_ref[...],
                    preferred_element_type=jnp.float32) + b1_ref[...]
        h = 0.5 * z * (1.0 + lax.erf(z * np.float32(1.0 / math.sqrt(2.0))))
        acc = acc + jnp.dot(h.astype(jnp.bfloat16), m_scr[g],
                            preferred_element_type=jnp.float32)
    cf_ref[...] = acc.astype(jnp.bfloat16)


def _coord(ftg, W1, b1row, W2, Wp, b2row, bprow):
    return pl.pallas_call(
        _coord_body,
        grid=(T // _TBLK,),
        in_specs=[
            pl.BlockSpec((G, _TBLK, FD), lambda i: (0, i, 0)),
            pl.BlockSpec((FD, HID), lambda i: (0, 0)),
            pl.BlockSpec((1, HID), lambda i: (0, 0)),
            pl.BlockSpec((HID, HID), lambda i: (0, 0)),
            pl.BlockSpec((G * CH, HID), lambda i: (0, 0)),
            pl.BlockSpec((1, HID), lambda i: (0, 0)),
            pl.BlockSpec((1, HID), lambda i: (0, 0)),
        ],
        out_specs=pl.BlockSpec((_TBLK, HID), lambda i: (i, 0)),
        out_shape=jax.ShapeDtypeStruct((T, HID), jnp.bfloat16),
        scratch_shapes=[
            pltpu.VMEM((G, HID, HID), jnp.bfloat16),
            pltpu.VMEM((1, HID), jnp.float32),
        ],
        compiler_params=pltpu.CompilerParams(
            dimension_semantics=("arbitrary",)),
    )(ftg, W1, b1row, W2, Wp, b2row, bprow)


_BBLK = 4096


def _combine_body(cf_ref, xg_ref, wp_ref, tok_ref, mask_ref):
    cf = cf_ref[...].astype(jnp.float32)
    wx = jnp.concatenate(
        [wp_ref[pl.ds((col % G) * CH + col // G, 1), :] for col in range(XW)],
        axis=0)
    masks = []
    for b in range(B):
        xb = xg_ref[b]
        tok_ref[b] = cf + jnp.dot(xb[:, :XW], wx,
                                  preferred_element_type=jnp.float32)
        mb = (jnp.max(xb[:, XW:WIDTH], axis=-1) > 0.5).astype(jnp.int32)
        masks.append(mb.reshape(1, _BBLK))
    mask_ref[...] = jnp.concatenate(masks, axis=0)


def _combine(cf, xg, Wp):
    return pl.pallas_call(
        _combine_body,
        grid=(T // _BBLK,),
        in_specs=[
            pl.BlockSpec((_BBLK, HID), lambda i: (i, 0)),
            pl.BlockSpec((B, _BBLK, _OUTM), lambda i: (0, i, 0)),
            pl.BlockSpec((G * CH, HID), lambda i: (0, 0)),
        ],
        out_specs=[
            pl.BlockSpec((B, _BBLK, HID), lambda i: (0, i, 0)),
            pl.BlockSpec((B, _BBLK), lambda i: (0, i)),
        ],
        out_shape=[
            jax.ShapeDtypeStruct((B, T, HID), jnp.float32),
            jax.ShapeDtypeStruct((B, T), jnp.int32),
        ],
        compiler_params=pltpu.CompilerParams(
            dimension_semantics=("arbitrary",)),
    )(cf, xg, Wp)


def kernel(x, cond_mask, W1, b1, W2, b2, Wp, bp):
    xc = jnp.concatenate(
        [x.reshape(B, C, HW), cond_mask.reshape(B, 1, HW)], axis=1)
    xg = _sc_gather(xc, jnp.asarray(_ORDER32))

    cf = _coord(jnp.asarray(_FOURIER_G).astype(jnp.bfloat16),
                W1.astype(jnp.bfloat16), b1.reshape(1, HID), W2, Wp,
                b2.reshape(1, HID), bp.reshape(1, HID))
    tok, mask = _combine(cf, xg, Wp)
    return tok, mask.astype(bool)

# --- scband reference (transcript-rebuilt; emitter-appended) ---
"""Pipeline reference for scband-sfctokenizer-3539053052538 (READ-ONLY COPY).

The authoritative reference and input builder live on the scoring server;
editing this copy changes nothing except your own understanding.
"""

import jax, jax.numpy as jnp
import numpy as np
import math

B, C, H = 2, 4, 256
HID, G, NB = 256, 8, 16
HW = H * H
T = HW // G

def _hilbert_order(size):
    x = np.tile(np.arange(size, dtype=np.int64), size)
    y = np.repeat(np.arange(size, dtype=np.int64), size)
    d = np.zeros(size * size, dtype=np.int64)
    s = size >> 1
    while s > 0:
        rx = ((x & s) > 0).astype(np.int64)
        ry = ((y & s) > 0).astype(np.int64)
        d += s * s * ((3 * rx) ^ ry)
        swap = ry == 0
        flip = swap & (rx == 1)
        xf = np.where(flip, s - 1 - x, x)
        yf = np.where(flip, s - 1 - y, y)
        x, y = np.where(swap, yf, xf), np.where(swap, xf, yf)
        s >>= 1
    return np.argsort(d)

ORDER = jnp.asarray(_hilbert_order(H))

def _coords(size):
    ax = np.arange(size, dtype=np.float32)
    yy, xx = np.meshgrid(ax, ax, indexing='ij')
    xn = xx / (size - 1) * 2.0 - 1.0
    yn = yy / (size - 1) * 2.0 - 1.0
    return jnp.asarray(np.stack([xn, yn], axis=-1).reshape(-1, 2))

COORDS = _coords(H)
FREQS = jnp.asarray((2.0 ** np.arange(NB, dtype=np.float32)) * math.pi)

def setup_inputs(seed: int = 0):
    key = jax.random.key(seed)
    ks = jax.random.split(key, 8)
    FD = 4 * NB
    GD = G * (C + HID)
    return {
        'x': jax.random.normal(ks[0], (B, C, H, H), jnp.float32),
        'cond_mask': jnp.ones((B, 1, H, H), jnp.float32),
        'W1': jax.random.normal(ks[1], (FD, HID), jnp.float32) / np.sqrt(FD),
        'b1': jnp.zeros((HID,), jnp.float32),
        'W2': jax.random.normal(ks[2], (HID, HID), jnp.float32) / np.sqrt(HID),
        'b2': jnp.zeros((HID,), jnp.float32),
        'Wp': jax.random.normal(ks[3], (GD, HID), jnp.float32) / np.sqrt(GD),
        'bp': jnp.zeros((HID,), jnp.float32),
    }

def reference(x, cond_mask, W1, b1, W2, b2, Wp, bp):
    # LearnableFourierMLP on per-pixel coords (shared across batch)
    proj = COORDS[:, :, None] * FREQS[None, None, :]          # (HW, 2, NB)
    fourier = jnp.concatenate([jnp.sin(proj), jnp.cos(proj)], axis=-1).reshape(HW, 4 * NB)
    h = jax.nn.gelu(fourier @ W1 + b1, approximate=False)
    coord_feat = h @ W2 + b2                                   # (HW, HID)
    # flatten pixels, reorder by Hilbert space-filling curve (gather)
    x_flat = jnp.transpose(x, (0, 2, 3, 1)).reshape(B, HW, C)
    x_ord = jnp.take(x_flat, ORDER, axis=1)                    # (B, HW, C)
    cf_ord = jnp.take(coord_feat, ORDER, axis=0)               # (HW, HID)
    feat = jnp.concatenate([x_ord, jnp.broadcast_to(cf_ord[None], (B, HW, HID))], axis=-1)
    # group consecutive SFC points, flatten group features, project
    groups = feat.reshape(B, T, G * (C + HID))
    tokens = groups @ Wp + bp                                  # (B, T, HID)
    # cond_mask is all-ones here -> every token real
    m = cond_mask.reshape(B, HW) > 0.5
    token_mask = jnp.take(m, ORDER, axis=1).reshape(B, T, G).any(axis=-1)
    return tokens, token_mask

if __name__ == "__main__":
    import jax
    _d = setup_inputs()
    print(jax.jit(kernel)(*tuple(_d.values())))

</pallas_src>

<mosaic_0001>
#map = affine_map<(d0, d1) -> (0, 0, 0)>
#map1 = affine_map<(d0, d1) -> (0)>
module attributes {stable_mosaic.version = 14 : i64} {
  func.func @body(%arg0: i32, %arg1: i32, %arg2: memref<2x5x65536xf32, #tpu.memory_space<hbm>>, %arg3: memref<65664xi32, #tpu.memory_space<hbm>>, %arg4: memref<2x8224x128xf32, #tpu.memory_space<hbm>>, %arg5: memref<21888xi32, #tpu.memory_space<vmem>>, %arg6: memref<65536xf32, #tpu.memory_space<vmem>>, %arg7: memref<2736x8xf32, #tpu.memory_space<vmem>>) attributes {dimension_semantics = [#tpu.dimension_semantics<core_parallel>, #tpu.dimension_semantics<subcore_parallel>], iteration_bounds = array<i64: 2, 16>, scalar_prefetch = 0 : i64, scratch_operands = 3 : i64, tpu.core_type = #tpu.core_type<sc_vector_subcore>, window_params = [{transform_indices = #map}, {transform_indices = #map1}, {transform_indices = #map}]} {
    %mul3A = arith.constant 2 : i32
    %mul3A_0 = arith.muli %arg1, %mul3A : i32
    %add3A = arith.addi %mul3A_0, %arg0 : i32
    %jit3A = arith.constant 16 : i32
    %div3A = arith.divsi %add3A, %jit3A : i32
    %sign3A = arith.constant 0 : i32
    %sign3A_1 = arith.cmpi sgt, %add3A, %sign3A : i32
    %sign3A_2 = arith.extui %sign3A_1 : i1 to i32
    %sign3A_3 = arith.constant 0 : i32
    %sign3A_4 = arith.cmpi slt, %add3A, %sign3A_3 : i32
    %sign3A_5 = arith.extui %sign3A_4 : i1 to i32
    %sign3A_6 = arith.subi %sign3A_2, %sign3A_5 : i32
    %sign3A_7 = arith.constant 0 : i32
    %sign3A_8 = arith.cmpi sgt, %jit3A, %sign3A_7 : i32
    %sign3A_9 = arith.extui %sign3A_8 : i1 to i32
    %sign3A_10 = arith.constant 0 : i32
    %sign3A_11 = arith.cmpi slt, %jit3A, %sign3A_10 : i32
    %sign3A_12 = arith.extui %sign3A_11 : i1 to i32
    %sign3A_13 = arith.subi %sign3A_9, %sign3A_12 : i32
    %ne3A = arith.cmpi ne, %sign3A_6, %sign3A_13 : i32
    %rem3A = arith.remsi %add3A, %jit3A : i32
    %ne3A_14 = arith.constant 0 : i32
    %ne3A_15 = arith.cmpi ne, %rem3A, %ne3A_14 : i32
    %and3A = arith.andi %ne3A, %ne3A_15 : i1
    %sub3A = arith.constant 1 : i32
    %sub3A_16 = arith.subi %div3A, %sub3A : i32
    %select_n3A = arith.select %and3A, %sub3A_16, %div3A : i32
    %jit3A_17 = arith.constant 16 : i32
    %eq3A = arith.constant 0 : i32
    %eq3A_18 = arith.cmpi eq, %jit3A_17, %eq3A : i32
    %jit3A_19 = arith.constant 1 : i32
    %select_n3A_20 = arith.select %eq3A_18, %jit3A_19, %jit3A_17 : i32
    %rem3A_21 = arith.remsi %add3A, %select_n3A_20 : i32
    %ne3A_22 = arith.constant 0 : i32
    %ne3A_23 = arith.cmpi ne, %rem3A_21, %ne3A_22 : i32
    %lt3A = arith.constant 0 : i32
    %lt3A_24 = arith.cmpi slt, %rem3A_21, %lt3A : i32
    %lt3A_25 = arith.constant 0 : i32
    %lt3A_26 = arith.cmpi slt, %select_n3A_20, %lt3A_25 : i32
    %ne3A_27 = arith.xori %lt3A_24, %lt3A_26 : i1
    %and3A_28 = arith.andi %ne3A_27, %ne3A_23 : i1
    %add3A_29 = arith.addi %rem3A_21, %select_n3A_20 : i32
    %select_n3A_30 = arith.select %and3A_28, %add3A_29, %rem3A_21 : i32
    %jit3A_31 = arith.constant 3 : i32
    %div3A_32 = arith.divsi %select_n3A_30, %jit3A_31 : i32
    %sign3A_33 = arith.constant 0 : i32
    %sign3A_34 = arith.cmpi sgt, %select_n3A_30, %sign3A_33 : i32
    %sign3A_35 = arith.extui %sign3A_34 : i1 to i32
    %sign3A_36 = arith.constant 0 : i32
    %sign3A_37 = arith.cmpi slt, %select_n3A_30, %sign3A_36 : i32
    %sign3A_38 = arith.extui %sign3A_37 : i1 to i32
    %sign3A_39 = arith.subi %sign3A_35, %sign3A_38 : i32
    %sign3A_40 = arith.constant 0 : i32
    %sign3A_41 = arith.cmpi sgt, %jit3A_31, %sign3A_40 : i32
    %sign3A_42 = arith.extui %sign3A_41 : i1 to i32
    %sign3A_43 = arith.constant 0 : i32
    %sign3A_44 = arith.cmpi slt, %jit3A_31, %sign3A_43 : i32
    %sign3A_45 = arith.extui %sign3A_44 : i1 to i32
    %sign3A_46 = arith.subi %sign3A_42, %sign3A_45 : i32
    %ne3A_47 = arith.cmpi ne, %sign3A_39, %sign3A_46 : i32
    %rem3A_48 = arith.remsi %select_n3A_30, %jit3A_31 : i32
    %ne3A_49 = arith.constant 0 : i32
    %ne3A_50 = arith.cmpi ne, %rem3A_48, %ne3A_49 : i32
    %and3A_51 = arith.andi %ne3A_47, %ne3A_50 : i1
    %sub3A_52 = arith.constant 1 : i32
    %sub3A_53 = arith.subi %div3A_32, %sub3A_52 : i32
    %select_n3A_54 = arith.select %and3A_51, %sub3A_53, %div3A_32 : i32
    %jit3A_55 = arith.constant 3 : i32
    %eq3A_56 = arith.constant 0 : i32
    %eq3A_57 = arith.cmpi eq, %jit3A_55, %eq3A_56 : i32
    %jit3A_58 = arith.constant 1 : i32
    %select_n3A_59 = arith.select %eq3A_57, %jit3A_58, %jit3A_55 : i32
    %rem3A_60 = arith.remsi %select_n3A_30, %select_n3A_59 : i32
    %ne3A_61 = arith.constant 0 : i32
    %ne3A_62 = arith.cmpi ne, %rem3A_60, %ne3A_61 : i32
    %lt3A_63 = arith.constant 0 : i32
    %lt3A_64 = arith.cmpi slt, %rem3A_60, %lt3A_63 : i32
    %lt3A_65 = arith.constant 0 : i32
    %lt3A_66 = arith.cmpi slt, %select_n3A_59, %lt3A_65 : i32
    %ne3A_67 = arith.xori %lt3A_64, %lt3A_66 : i1
    %and3A_68 = arith.andi %ne3A_67, %ne3A_62 : i1
    %add3A_69 = arith.addi %rem3A_60, %select_n3A_59 : i32
    %select_n3A_70 = arith.select %and3A_68, %add3A_69, %rem3A_60 : i32
    %iota3A = tpu.iota {dimensions = array<i32: 0>} : vector<16xi32>
    %jit3A_71 = arith.constant 8 : i32
    %div3A_72 = vector.broadcast %jit3A_71 : i32 to vector<16xi32>
    %div3A_73 = arith.divsi %iota3A, %div3A_72 : vector<16xi32>
    %sign3A_74 = arith.constant 0 : i32
    %sign3A_75 = vector.broadcast %sign3A_74 : i32 to vector<16xi32>
    %sign3A_76 = arith.cmpi sgt, %iota3A, %sign3A_75 : vector<16xi32>
    %sign3A_77 = arith.extui %sign3A_76 : vector<16xi1> to vector<16xi32>
    %sign3A_78 = arith.constant 0 : i32
    %sign3A_79 = vector.broadcast %sign3A_78 : i32 to vector<16xi32>
    %sign3A_80 = arith.cmpi slt, %iota3A, %sign3A_79 : vector<16xi32>
    %sign3A_81 = arith.extui %sign3A_80 : vector<16xi1> to vector<16xi32>
    %sign3A_82 = arith.subi %sign3A_77, %sign3A_81 : vector<16xi32>
    %sign3A_83 = arith.constant 0 : i32
    %sign3A_84 = arith.cmpi sgt, %jit3A_71, %sign3A_83 : i32
    %sign3A_85 = arith.extui %sign3A_84 : i1 to i32
    %sign3A_86 = arith.constant 0 : i32
    %sign3A_87 = arith.cmpi slt, %jit3A_71, %sign3A_86 : i32
    %sign3A_88 = arith.extui %sign3A_87 : i1 to i32
    %sign3A_89 = arith.subi %sign3A_85, %sign3A_88 : i32
    %ne3A_90 = vector.broadcast %sign3A_89 : i32 to vector<16xi32>
    %ne3A_91 = arith.cmpi ne, %sign3A_82, %ne3A_90 : vector<16xi32>
    %rem3A_92 = vector.broadcast %jit3A_71 : i32 to vector<16xi32>
    %rem3A_93 = arith.remsi %iota3A, %rem3A_92 : vector<16xi32>
    %ne3A_94 = arith.constant 0 : i32
    %ne3A_95 = vector.broadcast %ne3A_94 : i32 to vector<16xi32>
    %ne3A_96 = arith.cmpi ne, %rem3A_93, %ne3A_95 : vector<16xi32>
    %and3A_97 = arith.andi %ne3A_91, %ne3A_96 : vector<16xi1>
    %sub3A_98 = arith.constant 1 : i32
    %sub3A_99 = vector.broadcast %sub3A_98 : i32 to vector<16xi32>
    %sub3A_100 = arith.subi %div3A_73, %sub3A_99 : vector<16xi32>
    %select_n3A_101 = arith.select %and3A_97, %sub3A_100, %div3A_73 : vector<16xi1>, vector<16xi32>
    %jit3A_102 = arith.constant 8 : i32
    %eq3A_103 = arith.constant 0 : i32
    %eq3A_104 = arith.cmpi eq, %jit3A_102, %eq3A_103 : i32
    %jit3A_105 = arith.constant 1 : i32
    %select_n3A_106 = arith.select %eq3A_104, %jit3A_105, %jit3A_102 : i32
    %rem3A_107 = vector.broadcast %select_n3A_106 : i32 to vector<16xi32>
    %rem3A_108 = arith.remsi %iota3A, %rem3A_107 : vector<16xi32>
    %ne3A_109 = arith.constant 0 : i32
    %ne3A_110 = vector.broadcast %ne3A_109 : i32 to vector<16xi32>
    %ne3A_111 = arith.cmpi ne, %rem3A_108, %ne3A_110 : vector<16xi32>
    %lt3A_112 = arith.constant 0 : i32
    %lt3A_113 = vector.broadcast %lt3A_112 : i32 to vector<16xi32>
    %lt3A_114 = arith.cmpi slt, %rem3A_108, %lt3A_113 : vector<16xi32>
    %lt3A_115 = arith.constant 0 : i32
    %lt3A_116 = arith.cmpi slt, %select_n3A_106, %lt3A_115 : i32
    %ne3A_117 = vector.broadcast %lt3A_116 : i1 to vector<16xi1>
    %ne3A_118 = vector.broadcast %ne3A_117 : vector<16xi1> to vector<16xi1>
    %ne3A_119 = arith.xori %lt3A_114, %ne3A_118 : vector<16xi1>
    %and3A_120 = arith.andi %ne3A_119, %ne3A_111 : vector<16xi1>
    %add3A_121 = vector.broadcast %select_n3A_106 : i32 to vector<16xi32>
    %add3A_122 = arith.addi %rem3A_108, %add3A_121 : vector<16xi32>
    %select_n3A_123 = arith.select %and3A_120, %add3A_122, %rem3A_108 : vector<16xi1>, vector<16xi32>
    %lt3A_124 = arith.constant 5 : i32
    %lt3A_125 = arith.cmpi slt, %select_n3A_54, %lt3A_124 : i32
    %convert_element_type3A = arith.extui %lt3A_125 : i1 to i32
    %cond3A = arith.constant 0 : i32
    %cond3A_126 = arith.cmpi ne, %convert_element_type3A, %cond3A : i32
    scf.if %cond3A_126 {
      %mul3A_127 = arith.constant 21888 : i32
      %mul3A_128 = arith.muli %select_n3A_70, %mul3A_127 : i32
      "tpu.region"() ({
        %run_scoped3A = tpu.sem_alloc : memref<!tpu.dma_semaphore, #tpu.memory_space<semaphore_mem>>
        %dma_start3A = tpu.memref_slice %arg3[%mul3A_128] : memref<65664xi32, #tpu.memory_space<hbm>> -> memref<21888xi32, #tpu.memory_space<hbm>>
        %dma_start3A_135 = tpu.memref_slice %arg3[%mul3A_128] : memref<65664xi32, #tpu.memory_space<hbm>> -> memref<21888xi32, #tpu.memory_space<hbm>>
        tpu.enqueue_dma source(%dma_start3A_135 : memref<21888xi32, #tpu.memory_space<hbm>>) target(%arg5 : memref<21888xi32, #tpu.memory_space<vmem>>) target_semaphore(%run_scoped3A : memref<!tpu.dma_semaphore, #tpu.memory_space<semaphore_mem>>)
        %dma_wait3A = tpu.memref_slice %arg3[%mul3A_128] : memref<65664xi32, #tpu.memory_space<hbm>> -> memref<21888xi32, #tpu.memory_space<hbm>>
        %dma_wait3A_136 = tpu.memref_slice %arg3[%mul3A_128] : memref<65664xi32, #tpu.memory_space<hbm>> -> memref<21888xi32, #tpu.memory_space<hbm>>
        tpu.wait_dma2 semaphore(%run_scoped3A : memref<!tpu.dma_semaphore, #tpu.memory_space<semaphore_mem>>) src(%dma_wait3A_136 : memref<21888xi32, #tpu.memory_space<hbm>>) dst(%arg5 : memref<21888xi32, #tpu.memory_space<vmem>>)
        tpu.yield
      }) : () -> ()
      "tpu.region"() ({
        %run_scoped3A = tpu.sem_alloc : memref<!tpu.dma_semaphore, #tpu.memory_space<semaphore_mem>>
        %dma_start3A = arith.constant 0 : i32
        %dma_start3A_135 = tpu.memref_slice %arg2[%select_n3A, %select_n3A_54, %dma_start3A] : memref<2x5x65536xf32, #tpu.memory_space<hbm>> -> memref<1x1x65536xf32, #tpu.memory_space<hbm>>
        %dma_start3A_136 = tpu.memref_squeeze %dma_start3A_135 : memref<1x1x65536xf32, #tpu.memory_space<hbm>> -> memref<65536xf32, #tpu.memory_space<hbm>>
        %dma_start3A_137 = arith.constant 0 : i32
        %dma_start3A_138 = tpu.memref_slice %arg2[%select_n3A, %select_n3A_54, %dma_start3A_137] : memref<2x5x65536xf32, #tpu.memory_space<hbm>> -> memref<1x1x65536xf32, #tpu.memory_space<hbm>>
        %dma_start3A_139 = tpu.memref_squeeze %dma_start3A_138 : memref<1x1x65536xf32, #tpu.memory_space<hbm>> -> memref<65536xf32, #tpu.memory_space<hbm>>
        tpu.enqueue_dma source(%dma_start3A_139 : memref<65536xf32, #tpu.memory_space<hbm>>) target(%arg6 : memref<65536xf32, #tpu.memory_space<vmem>>) target_semaphore(%run_scoped3A : memref<!tpu.dma_semaphore, #tpu.memory_space<semaphore_mem>>)
        %dma_wait3A = arith.constant 0 : i32
        %dma_wait3A_140 = tpu.memref_slice %arg2[%select_n3A, %select_n3A_54, %dma_wait3A] : memref<2x5x65536xf32, #tpu.memory_space<hbm>> -> memref<1x1x65536xf32, #tpu.memory_space<hbm>>
        %dma_wait3A_141 = tpu.memref_squeeze %dma_wait3A_140 : memref<1x1x65536xf32, #tpu.memory_space<hbm>> -> memref<65536xf32, #tpu.memory_space<hbm>>
        %dma_wait3A_142 = arith.constant 0 : i32
        %dma_wait3A_143 = tpu.memref_slice %arg2[%select_n3A, %select_n3A_54, %dma_wait3A_142] : memref<2x5x65536xf32, #tpu.memory_space<hbm>> -> memref<1x1x65536xf32, #tpu.memory_space<hbm>>
        %dma_wait3A_144 = tpu.memref_squeeze %dma_wait3A_143 : memref<1x1x65536xf32, #tpu.memory_space<hbm>> -> memref<65536xf32, #tpu.memory_space<hbm>>
        tpu.wait_dma2 semaphore(%run_scoped3A : memref<!tpu.dma_semaphore, #tpu.memory_space<semaphore_mem>>) src(%dma_wait3A_144 : memref<65536xf32, #tpu.memory_space<hbm>>) dst(%arg6 : memref<65536xf32, #tpu.memory_space<vmem>>)
        tpu.yield
      }) : () -> ()
      %parallel_loop3A = arith.constant 0 : i32
      %parallel_loop3A_129 = arith.constant 1368 : i32
      %parallel_loop3A_130 = arith.constant 1 : i32
      scf.for %parallel_loop3A_135 = %parallel_loop3A to %parallel_loop3A_129 step %parallel_loop3A_130  : i32 {
        %parallel_loop3A_136 = arith.constant 16 : i32
        %parallel_loop3A_137 = arith.muli %parallel_loop3A_135, %parallel_loop3A_136 : i32
        %parallel_loop3A_138 = arith.index_cast %parallel_loop3A_137 : i32 to index
        %parallel_loop3A_139 = tpu.vector_load %arg5[%parallel_loop3A_138] {strides = array<i32>} : memref<21888xi32, #tpu.memory_space<vmem>>, vector<16xi32>,
        %parallel_loop3A_140 = tpu.vector_load_idx %arg6[%parallel_loop3A_139] : memref<65536xf32, #tpu.memory_space<vmem>>[vector<16xi32>], vector<16xf32>,
        %parallel_loop3A_141 = arith.constant 2 : i32
        %parallel_loop3A_142 = arith.muli %parallel_loop3A_135, %parallel_loop3A_141 : i32
        %parallel_loop3A_143 = vector.broadcast %parallel_loop3A_142 : i32 to vector<16xi32>
        %parallel_loop3A_144 = arith.addi %parallel_loop3A_143, %select_n3A_101 : vector<16xi32>
        tpu.vector_store_idx %arg7[%parallel_loop3A_144, %select_n3A_123], %parallel_loop3A_140 : memref<2736x8xf32, #tpu.memory_space<vmem>>[vector<16xi32>, vector<16xi32>], vector<16xf32>,
      } {sc.loop_unroll_factor = 4 : i64, sc.parallel_access}
      %mul3A_131 = arith.constant 2736 : i32
      %mul3A_132 = arith.muli %select_n3A_70, %mul3A_131 : i32
      %mul3A_133 = arith.constant 8 : i32
      %mul3A_134 = arith.muli %select_n3A_54, %mul3A_133 : i32
      "tpu.region"() ({
        %run_scoped3A = tpu.sem_alloc : memref<!tpu.dma_semaphore, #tpu.memory_space<semaphore_mem>>
        %dma_start3A = tpu.memref_slice %arg4[%select_n3A, %mul3A_132, %mul3A_134] : memref<2x8224x128xf32, #tpu.memory_space<hbm>> -> memref<1x2736x8xf32, #tpu.memory_space<hbm>>
        %dma_start3A_135 = tpu.memref_squeeze %dma_start3A : memref<1x2736x8xf32, #tpu.memory_space<hbm>> -> memref<2736x8xf32, #tpu.memory_space<hbm>>
        %dma_start3A_136 = tpu.memref_slice %arg4[%select_n3A, %mul3A_132, %mul3A_134] : memref<2x8224x128xf32, #tpu.memory_space<hbm>> -> memref<1x2736x8xf32, #tpu.memory_space<hbm>>
        %dma_start3A_137 = tpu.memref_squeeze %dma_start3A_136 : memref<1x2736x8xf32, #tpu.memory_space<hbm>> -> memref<2736x8xf32, #tpu.memory_space<hbm>>
        tpu.enqueue_dma source(%arg7 : memref<2736x8xf32, #tpu.memory_space<vmem>>) target(%dma_start3A_137 : memref<2736x8xf32, #tpu.memory_space<hbm>>) target_semaphore(%run_scoped3A : memref<!tpu.dma_semaphore, #tpu.memory_space<semaphore_mem>>)
        %dma_wait3A = tpu.memref_slice %arg4[%select_n3A, %mul3A_132, %mul3A_134] : memref<2x8224x128xf32, #tpu.memory_space<hbm>> -> memref<1x2736x8xf32, #tpu.memory_space<hbm>>
        %dma_wait3A_138 = tpu.memref_squeeze %dma_wait3A : memref<1x2736x8xf32, #tpu.memory_space<hbm>> -> memref<2736x8xf32, #tpu.memory_space<hbm>>
        %dma_wait3A_139 = tpu.memref_slice %arg4[%select_n3A, %mul3A_132, %mul3A_134] : memref<2x8224x128xf32, #tpu.memory_space<hbm>> -> memref<1x2736x8xf32, #tpu.memory_space<hbm>>
        %dma_wait3A_140 = tpu.memref_squeeze %dma_wait3A_139 : memref<1x2736x8xf32, #tpu.memory_space<hbm>> -> memref<2736x8xf32, #tpu.memory_space<hbm>>
        tpu.wait_dma2 semaphore(%run_scoped3A : memref<!tpu.dma_semaphore, #tpu.memory_space<semaphore_mem>>) src(%arg7 : memref<2736x8xf32, #tpu.memory_space<vmem>>) dst(%dma_wait3A_140 : memref<2736x8xf32, #tpu.memory_space<hbm>>)
        tpu.yield
      }) : () -> ()
    } else {
    }
    return
  }
}

module attributes {stable_mosaic.version = 14 : i64} {
  func.func @_coord_body(%arg0: i32, %arg1: memref<8x1024x64xbf16, #tpu.memory_space<vmem>>, %arg2: memref<64x256xbf16, #tpu.memory_space<vmem>>, %arg3: memref<1x256xf32, #tpu.memory_space<vmem>>, %arg4: memref<256x256xf32, #tpu.memory_space<vmem>>, %arg5: memref<2080x256xf32, #tpu.memory_space<vmem>>, %arg6: memref<1x256xf32, #tpu.memory_space<vmem>>, %arg7: memref<1x256xf32, #tpu.memory_space<vmem>>, %arg8: memref<1024x256xbf16, #tpu.memory_space<vmem>>, %arg9: memref<8x256x256xbf16, #tpu.memory_space<vmem>>, %arg10: memref<1x256xf32, #tpu.memory_space<vmem>>) attributes {dimension_semantics = [#tpu.dimension_semantics<arbitrary>], iteration_bounds = array<i64: 8>, scalar_prefetch = 0 : i64, scratch_operands = 2 : i64, tpu.core_type = #tpu.core_type<tc>, window_params = [{transform_indices = @transform_0, window_bounds = array<i64: 8, 1024, 64>}, {pipeline_mode = #tpu.pipeline_mode<synchronous>, transform_indices = @transform_1, window_bounds = array<i64: 64, 256>}, {pipeline_mode = #tpu.pipeline_mode<synchronous>, transform_indices = @transform_2, window_bounds = array<i64: 1, 256>}, {pipeline_mode = #tpu.pipeline_mode<synchronous>, transform_indices = @transform_3, window_bounds = array<i64: 256, 256>}, {pipeline_mode = #tpu.pipeline_mode<synchronous>, transform_indices = @transform_4, window_bounds = array<i64: 2080, 256>}, {pipeline_mode = #tpu.pipeline_mode<synchronous>, transform_indices = @transform_5, window_bounds = array<i64: 1, 256>}, {pipeline_mode = #tpu.pipeline_mode<synchronous>, transform_indices = @transform_6, window_bounds = array<i64: 1, 256>}, {transform_indices = @transform_7, window_bounds = array<i64: 1024, 256>}]} {
    %eq3A = arith.constant 0 : i32
    %eq3A_0 = arith.cmpi eq, %arg0, %eq3A : i32
    %convert_element_type3A = arith.extui %eq3A_0 : i1 to i32
    %cond3A = arith.constant 0 : i32
    %cond3A_1 = arith.cmpi ne, %convert_element_type3A, %cond3A : i32
    scf.if %cond3A_1 {
      %get3A_284 = arith.constant 0 : index
      %get3A_285 = arith.constant 0 : index
      %get3A_286 = vector.load %arg4[%get3A_284, %get3A_285] : memref<256x256xf32, #tpu.memory_space<vmem>>, vector<256x256xf32>
      %convert_element_type3A_287 = arith.truncf %get3A_286 : vector<256x256xf32> to vector<256x256xbf16>
      %get3A_288 = arith.constant 0 : index
      %get3A_289 = arith.constant 0 : index
      %get3A_290 = vector.load %arg7[%get3A_288, %get3A_289] : memref<1x256xf32, #tpu.memory_space<vmem>>, vector<1x256xf32>
      %get3A_291 = arith.constant 4 : index
      %get3A_292 = arith.constant 0 : index
      %get3A_293 = vector.load %arg5[%get3A_291, %get3A_292] : memref<2080x256xf32, #tpu.memory_space<vmem>>, vector<256x256xf32>
      %convert_element_type3A_294 = arith.truncf %get3A_293 : vector<256x256xf32> to vector<256x256xbf16>
      %dot_general3A_295 = arith.constant dense<0.000000e+00> : vector<256x256xf32>
      %dot_general3A_296 = tpu.matmul %convert_element_type3A_287, %convert_element_type3A_294, %dot_general3A_295 {dimension_numbers = #tpu.dot_dimension_numbers<[1], [0], [0], [1], [0, 0, 1, 1], [], []>, transpose_lhs_hint = false} : vector<256x256xbf16>, vector<256x256xbf16>, vector<256x256xf32> -> vector<256x256xf32>
      %convert_element_type3A_297 = arith.truncf %dot_general3A_296 : vector<256x256xf32> to vector<256x256xbf16>
      %swap3A_298 = arith.constant 0 : index
      %swap3A_299 = arith.constant 0 : index
      %swap3A_300 = arith.constant 0 : index
      %swap3A_301 = vector.load %arg9[%swap3A_298, %swap3A_299, %swap3A_300] : memref<8x256x256xbf16, #tpu.memory_space<vmem>>, vector<1x256x256xbf16>
      %swap3A_302 = vector.shape_cast %swap3A_301 : vector<1x256x256xbf16> to vector<256x256xbf16>
      %swap3A_303 = vector.shape_cast %convert_element_type3A_297 : vector<256x256xbf16> to vector<1x256x256xbf16>
      tpu.vector_store %arg9[%swap3A_298, %swap3A_299, %swap3A_300], %swap3A_303 {strides = array<i32>} : memref<8x256x256xbf16, #tpu.memory_space<vmem>>, vector<1x256x256xbf16>,
      %get3A_304 = arith.constant 0 : index
      %get3A_305 = arith.constant 0 : index
      %get3A_306 = vector.load %arg6[%get3A_304, %get3A_305] : memref<1x256xf32, #tpu.memory_space<vmem>>, vector<1x256xf32>
      %dot_general3A_307 = arith.constant dense<0.000000e+00> : vector<1x256xf32>
      %dot_general3A_308 = tpu.matmul %get3A_306, %get3A_293, %dot_general3A_307 {dimension_numbers = #tpu.dot_dimension_numbers<[1], [0], [0], [1], [0, 0, 1, 1], [], []>, transpose_lhs_hint = false} : vector<1x256xf32>, vector<256x256xf32>, vector<1x256xf32> -> vector<1x256xf32>
      %add3A_309 = arith.addf %get3A_290, %dot_general3A_308 : vector<1x256xf32>
      %get3A_310 = arith.constant 264 : index
      %get3A_311 = arith.constant 0 : index
      %get3A_312 = vector.load %arg5[%get3A_310, %get3A_311] : memref<2080x256xf32, #tpu.memory_space<vmem>>, vector<256x256xf32>
      %convert_element_type3A_313 = arith.truncf %get3A_312 : vector<256x256xf32> to vector<256x256xbf16>
      %dot_general3A_314 = arith.constant dense<0.000000e+00> : vector<256x256xf32>
      %dot_general3A_315 = tpu.matmul %convert_element_type3A_287, %convert_element_type3A_313, %dot_general3A_314 {dimension_numbers = #tpu.dot_dimension_numbers<[1], [0], [0], [1], [0, 0, 1, 1], [], []>, transpose_lhs_hint = false} : vector<256x256xbf16>, vector<256x256xbf16>, vector<256x256xf32> -> vector<256x256xf32>
      %convert_element_type3A_316 = arith.truncf %dot_general3A_315 : vector<256x256xf32> to vector<256x256xbf16>
      %swap3A_317 = arith.constant 1 : index
      %swap3A_318 = arith.constant 0 : index
      %swap3A_319 = arith.constant 0 : index
      %swap3A_320 = vector.load %arg9[%swap3A_317, %swap3A_318, %swap3A_319] : memref<8x256x256xbf16, #tpu.memory_space<vmem>>, vector<1x256x256xbf16>
      %swap3A_321 = vector.shape_cast %swap3A_320 : vector<1x256x256xbf16> to vector<256x256xbf16>
      %swap3A_322 = vector.shape_cast %convert_element_type3A_316 : vector<256x256xbf16> to vector<1x256x256xbf16>
      tpu.vector_store %arg9[%swap3A_317, %swap3A_318, %swap3A_319], %swap3A_322 {strides = array<i32>} : memref<8x256x256xbf16, #tpu.memory_space<vmem>>, vector<1x256x256xbf16>,
      %get3A_323 = arith.constant 0 : index
      %get3A_324 = arith.constant 0 : index
      %get3A_325 = vector.load %arg6[%get3A_323, %get3A_324] : memref<1x256xf32, #tpu.memory_space<vmem>>, vector<1x256xf32>
      %dot_general3A_326 = arith.constant dense<0.000000e+00> : vector<1x256xf32>
      %dot_general3A_327 = tpu.matmul %get3A_325, %get3A_312, %dot_general3A_326 {dimension_numbers = #tpu.dot_dimension_numbers<[1], [0], [0], [1], [0, 0, 1, 1], [], []>, transpose_lhs_hint = false} : vector<1x256xf32>, vector<256x256xf32>, vector<1x256xf32> -> vector<1x256xf32>
      %add3A_328 = arith.addf %add3A_309, %dot_general3A_327 : vector<1x256xf32>
      %get3A_329 = arith.constant 524 : index
      %get3A_330 = arith.constant 0 : index
      %get3A_331 = vector.load %arg5[%get3A_329, %get3A_330] : memref<2080x256xf32, #tpu.memory_space<vmem>>, vector<256x256xf32>
      %convert_element_type3A_332 = arith.truncf %get3A_331 : vector<256x256xf32> to vector<256x256xbf16>
      %dot_general3A_333 = arith.constant dense<0.000000e+00> : vector<256x256xf32>
      %dot_general3A_334 = tpu.matmul %convert_element_type3A_287, %convert_element_type3A_332, %dot_general3A_333 {dimension_numbers = #tpu.dot_dimension_numbers<[1], [0], [0], [1], [0, 0, 1, 1], [], []>, transpose_lhs_hint = false} : vector<256x256xbf16>, vector<256x256xbf16>, vector<256x256xf32> -> vector<256x256xf32>
      %convert_element_type3A_335 = arith.truncf %dot_general3A_334 : vector<256x256xf32> to vector<256x256xbf16>
      %swap3A_336 = arith.constant 2 : index
      %swap3A_337 = arith.constant 0 : index
      %swap3A_338 = arith.constant 0 : index
      %swap3A_339 = vector.load %arg9[%swap3A_336, %swap3A_337, %swap3A_338] : memref<8x256x256xbf16, #tpu.memory_space<vmem>>, vector<1x256x256xbf16>
      %swap3A_340 = vector.shape_cast %swap3A_339 : vector<1x256x256xbf16> to vector<256x256xbf16>
      %swap3A_341 = vector.shape_cast %convert_element_type3A_335 : vector<256x256xbf16> to vector<1x256x256xbf16>
      tpu.vector_store %arg9[%swap3A_336, %swap3A_337, %swap3A_338], %swap3A_341 {strides = array<i32>} : memref<8x256x256xbf16, #tpu.memory_space<vmem>>, vector<1x256x256xbf16>,
      %get3A_342 = arith.constant 0 : index
      %get3A_343 = arith.constant 0 : index
      %get3A_344 = vector.load %arg6[%get3A_342, %get3A_343] : memref<1x256xf32, #tpu.memory_space<vmem>>, vector<1x256xf32>
      %dot_general3A_345 = arith.constant dense<0.000000e+00> : vector<1x256xf32>
      %dot_general3A_346 = tpu.matmul %get3A_344, %get3A_331, %dot_general3A_345 {dimension_numbers = #tpu.dot_dimension_numbers<[1], [0], [0], [1], [0, 0, 1, 1], [], []>, transpose_lhs_hint = false} : vector<1x256xf32>, vector<256x256xf32>, vector<1x256xf32> -> vector<1x256xf32>
      %add3A_347 = arith.addf %add3A_328, %dot_general3A_346 : vector<1x256xf32>
      %get3A_348 = arith.constant 784 : index
      %get3A_349 = arith.constant 0 : index
      %get3A_350 = vector.load %arg5[%get3A_348, %get3A_349] : memref<2080x256xf32, #tpu.memory_space<vmem>>, vector<256x256xf32>
      %convert_element_type3A_351 = arith.truncf %get3A_350 : vector<256x256xf32> to vector<256x256xbf16>
      %dot_general3A_352 = arith.constant dense<0.000000e+00> : vector<256x256xf32>
      %dot_general3A_353 = tpu.matmul %convert_element_type3A_287, %convert_element_type3A_351, %dot_general3A_352 {dimension_numbers = #tpu.dot_dimension_numbers<[1], [0], [0], [1], [0, 0, 1, 1], [], []>, transpose_lhs_hint = false} : vector<256x256xbf16>, vector<256x256xbf16>, vector<256x256xf32> -> vector<256x256xf32>
      %convert_element_type3A_354 = arith.truncf %dot_general3A_353 : vector<256x256xf32> to vector<256x256xbf16>
      %swap3A_355 = arith.constant 3 : index
      %swap3A_356 = arith.constant 0 : index
      %swap3A_357 = arith.constant 0 : index
      %swap3A_358 = vector.load %arg9[%swap3A_355, %swap3A_356, %swap3A_357] : memref<8x256x256xbf16, #tpu.memory_space<vmem>>, vector<1x256x256xbf16>
      %swap3A_359 = vector.shape_cast %swap3A_358 : vector<1x256x256xbf16> to vector<256x256xbf16>
      %swap3A_360 = vector.shape_cast %convert_element_type3A_354 : vector<256x256xbf16> to vector<1x256x256xbf16>
      tpu.vector_store %arg9[%swap3A_355, %swap3A_356, %swap3A_357], %swap3A_360 {strides = array<i32>} : memref<8x256x256xbf16, #tpu.memory_space<vmem>>, vector<1x256x256xbf16>,
      %get3A_361 = arith.constant 0 : index
      %get3A_362 = arith.constant 0 : index
      %get3A_363 = vector.load %arg6[%get3A_361, %get3A_362] : memref<1x256xf32, #tpu.memory_space<vmem>>, vector<1x256xf32>
      %dot_general3A_364 = arith.constant dense<0.000000e+00> : vector<1x256xf32>
      %dot_general3A_365 = tpu.matmul %get3A_363, %get3A_350, %dot_general3A_364 {dimension_numbers = #tpu.dot_dimension_numbers<[1], [0], [0], [1], [0, 0, 1, 1], [], []>, transpose_lhs_hint = false} : vector<1x256xf32>, vector<256x256xf32>, vector<1x256xf32> -> vector<1x256xf32>
      %add3A_366 = arith.addf %add3A_347, %dot_general3A_365 : vector<1x256xf32>
      %get3A_367 = arith.constant 1044 : index
      %get3A_368 = arith.constant 0 : index
      %get3A_369 = vector.load %arg5[%get3A_367, %get3A_368] : memref<2080x256xf32, #tpu.memory_space<vmem>>, vector<256x256xf32>
      %convert_element_type3A_370 = arith.truncf %get3A_369 : vector<256x256xf32> to vector<256x256xbf16>
      %dot_general3A_371 = arith.constant dense<0.000000e+00> : vector<256x256xf32>
      %dot_general3A_372 = tpu.matmul %convert_element_type3A_287, %convert_element_type3A_370, %dot_general3A_371 {dimension_numbers = #tpu.dot_dimension_numbers<[1], [0], [0], [1], [0, 0, 1, 1], [], []>, transpose_lhs_hint = false} : vector<256x256xbf16>, vector<256x256xbf16>, vector<256x256xf32> -> vector<256x256xf32>
      %convert_element_type3A_373 = arith.truncf %dot_general3A_372 : vector<256x256xf32> to vector<256x256xbf16>
      %swap3A_374 = arith.constant 4 : index
      %swap3A_375 = arith.constant 0 : index
      %swap3A_376 = arith.constant 0 : index
      %swap3A_377 = vector.load %arg9[%swap3A_374, %swap3A_375, %swap3A_376] : memref<8x256x256xbf16, #tpu.memory_space<vmem>>, vector<1x256x256xbf16>
      %swap3A_378 = vector.shape_cast %swap3A_377 : vector<1x256x256xbf16> to vector<256x256xbf16>
      %swap3A_379 = vector.shape_cast %convert_element_type3A_373 : vector<256x256xbf16> to vector<1x256x256xbf16>
      tpu.vector_store %arg9[%swap3A_374, %swap3A_375, %swap3A_376], %swap3A_379 {strides = array<i32>} : memref<8x256x256xbf16, #tpu.memory_space<vmem>>, vector<1x256x256xbf16>,
      %get3A_380 = arith.constant 0 : index
      %get3A_381 = arith.constant 0 : index
      %get3A_382 = vector.load %arg6[%get3A_380, %get3A_381] : memref<1x256xf32, #tpu.memory_space<vmem>>, vector<1x256xf32>
      %dot_general3A_383 = arith.constant dense<0.000000e+00> : vector<1x256xf32>
      %dot_general3A_384 = tpu.matmul %get3A_382, %get3A_369, %dot_general3A_383 {dimension_numbers = #tpu.dot_dimension_numbers<[1], [0], [0], [1], [0, 0, 1, 1], [], []>, transpose_lhs_hint = false} : vector<1x256xf32>, vector<256x256xf32>, vector<1x256xf32> -> vector<1x256xf32>
      %add3A_385 = arith.addf %add3A_366, %dot_general3A_384 : vector<1x256xf32>
      %get3A_386 = arith.constant 1304 : index
      %get3A_387 = arith.constant 0 : index
      %get3A_388 = vector.load %arg5[%get3A_386, %get3A_387] : memref<2080x256xf32, #tpu.memory_space<vmem>>, vector<256x256xf32>
      %convert_element_type3A_389 = arith.truncf %get3A_388 : vector<256x256xf32> to vector<256x256xbf16>
      %dot_general3A_390 = arith.constant dense<0.000000e+00> : vector<256x256xf32>
      %dot_general3A_391 = tpu.matmul %convert_element_type3A_287, %convert_element_type3A_389, %dot_general3A_390 {dimension_numbers = #tpu.dot_dimension_numbers<[1], [0], [0], [1], [0, 0, 1, 1], [], []>, transpose_lhs_hint = false} : vector<256x256xbf16>, vector<256x256xbf16>, vector<256x256xf32> -> vector<256x256xf32>
      %convert_element_type3A_392 = arith.truncf %dot_general3A_391 : vector<256x256xf32> to vector<256x256xbf16>
      %swap3A_393 = arith.constant 5 : index
      %swap3A_394 = arith.constant 0 : index
      %swap3A_395 = arith.constant 0 : index
      %swap3A_396 = vector.load %arg9[%swap3A_393, %swap3A_394, %swap3A_395] : memref<8x256x256xbf16, #tpu.memory_space<vmem>>, vector<1x256x256xbf16>
      %swap3A_397 = vector.shape_cast %swap3A_396 : vector<1x256x256xbf16> to vector<256x256xbf16>
      %swap3A_398 = vector.shape_cast %convert_element_type3A_392 : vector<256x256xbf16> to vector<1x256x256xbf16>
      tpu.vector_store %arg9[%swap3A_393, %swap3A_394, %swap3A_395], %swap3A_398 {strides = array<i32>} : memref<8x256x256xbf16, #tpu.memory_space<vmem>>, vector<1x256x256xbf16>,
      %get3A_399 = arith.constant 0 : index
      %get3A_400 = arith.constant 0 : index
      %get3A_401 = vector.load %arg6[%get3A_399, %get3A_400] : memref<1x256xf32, #tpu.memory_space<vmem>>, vector<1x256xf32>
      %dot_general3A_402 = arith.constant dense<0.000000e+00> : vector<1x256xf32>
      %dot_general3A_403 = tpu.matmul %get3A_401, %get3A_388, %dot_general3A_402 {dimension_numbers = #tpu.dot_dimension_numbers<[1], [0], [0], [1], [0, 0, 1, 1], [], []>, transpose_lhs_hint = false} : vector<1x256xf32>, vector<256x256xf32>, vector<1x256xf32> -> vector<1x256xf32>
      %add3A_404 = arith.addf %add3A_385, %dot_general3A_403 : vector<1x256xf32>
      %get3A_405 = arith.constant 1564 : index
      %get3A_406 = arith.constant 0 : index
      %get3A_407 = vector.load %arg5[%get3A_405, %get3A_406] : memref<2080x256xf32, #tpu.memory_space<vmem>>, vector<256x256xf32>
      %convert_element_type3A_408 = arith.truncf %get3A_407 : vector<256x256xf32> to vector<256x256xbf16>
      %dot_general3A_409 = arith.constant dense<0.000000e+00> : vector<256x256xf32>
      %dot_general3A_410 = tpu.matmul %convert_element_type3A_287, %convert_element_type3A_408, %dot_general3A_409 {dimension_numbers = #tpu.dot_dimension_numbers<[1], [0], [0], [1], [0, 0, 1, 1], [], []>, transpose_lhs_hint = false} : vector<256x256xbf16>, vector<256x256xbf16>, vector<256x256xf32> -> vector<256x256xf32>
      %convert_element_type3A_411 = arith.truncf %dot_general3A_410 : vector<256x256xf32> to vector<256x256xbf16>
      %swap3A_412 = arith.constant 6 : index
      %swap3A_413 = arith.constant 0 : index
      %swap3A_414 = arith.constant 0 : index
      %swap3A_415 = vector.load %arg9[%swap3A_412, %swap3A_413, %swap3A_414] : memref<8x256x256xbf16, #tpu.memory_space<vmem>>, vector<1x256x256xbf16>
      %swap3A_416 = vector.shape_cast %swap3A_415 : vector<1x256x256xbf16> to vector<256x256xbf16>
      %swap3A_417 = vector.shape_cast %convert_element_type3A_411 : vector<256x256xbf16> to vector<1x256x256xbf16>
      tpu.vector_store %arg9[%swap3A_412, %swap3A_413, %swap3A_414], %swap3A_417 {strides = array<i32>} : memref<8x256x256xbf16, #tpu.memory_space<vmem>>, vector<1x256x256xbf16>,
      %get3A_418 = arith.constant 0 : index
      %get3A_419 = arith.constant 0 : index
      %get3A_420 = vector.load %arg6[%get3A_418, %get3A_419] : memref<1x256xf32, #tpu.memory_space<vmem>>, vector<1x256xf32>
      %dot_general3A_421 = arith.constant dense<0.000000e+00> : vector<1x256xf32>
      %dot_general3A_422 = tpu.matmul %get3A_420, %get3A_407, %dot_general3A_421 {dimension_numbers = #tpu.dot_dimension_numbers<[1], [0], [0], [1], [0, 0, 1, 1], [], []>, transpose_lhs_hint = false} : vector<1x256xf32>, vector<256x256xf32>, vector<1x256xf32> -> vector<1x256xf32>
      %add3A_423 = arith.addf %add3A_404, %dot_general3A_422 : vector<1x256xf32>
      %get3A_424 = arith.constant 1824 : index
      %get3A_425 = arith.constant 0 : index
      %get3A_426 = vector.load %arg5[%get3A_424, %get3A_425] : memref<2080x256xf32, #tpu.memory_space<vmem>>, vector<256x256xf32>
      %convert_element_type3A_427 = arith.truncf %get3A_426 : vector<256x256xf32> to vector<256x256xbf16>
      %dot_general3A_428 = arith.constant dense<0.000000e+00> : vector<256x256xf32>
      %dot_general3A_429 = tpu.matmul %convert_element_type3A_287, %convert_element_type3A_427, %dot_general3A_428 {dimension_numbers = #tpu.dot_dimension_numbers<[1], [0], [0], [1], [0, 0, 1, 1], [], []>, transpose_lhs_hint = false} : vector<256x256xbf16>, vector<256x256xbf16>, vector<256x256xf32> -> vector<256x256xf32>
      %convert_element_type3A_430 = arith.truncf %dot_general3A_429 : vector<256x256xf32> to vector<256x256xbf16>
      %swap3A_431 = arith.constant 7 : index
      %swap3A_432 = arith.constant 0 : index
      %swap3A_433 = arith.constant 0 : index
      %swap3A_434 = vector.load %arg9[%swap3A_431, %swap3A_432, %swap3A_433] : memref<8x256x256xbf16, #tpu.memory_space<vmem>>, vector<1x256x256xbf16>
      %swap3A_435 = vector.shape_cast %swap3A_434 : vector<1x256x256xbf16> to vector<256x256xbf16>
      %swap3A_436 = vector.shape_cast %convert_element_type3A_430 : vector<256x256xbf16> to vector<1x256x256xbf16>
      tpu.vector_store %arg9[%swap3A_431, %swap3A_432, %swap3A_433], %swap3A_436 {strides = array<i32>} : memref<8x256x256xbf16, #tpu.memory_space<vmem>>, vector<1x256x256xbf16>,
      %get3A_437 = arith.constant 0 : index
      %get3A_438 = arith.constant 0 : index
      %get3A_439 = vector.load %arg6[%get3A_437, %get3A_438] : memref<1x256xf32, #tpu.memory_space<vmem>>, vector<1x256xf32>
      %dot_general3A_440 = arith.constant dense<0.000000e+00> : vector<1x256xf32>
      %dot_general3A_441 = tpu.matmul %get3A_439, %get3A_426, %dot_general3A_440 {dimension_numbers = #tpu.dot_dimension_numbers<[1], [0], [0], [1], [0, 0, 1, 1], [], []>, transpose_lhs_hint = false} : vector<1x256xf32>, vector<256x256xf32>, vector<1x256xf32> -> vector<1x256xf32>
      %add3A_442 = arith.addf %add3A_423, %dot_general3A_441 : vector<1x256xf32>
      %swap3A_443 = arith.constant 0 : index
      %swap3A_444 = arith.constant 0 : index
      %swap3A_445 = vector.load %arg10[%swap3A_443, %swap3A_444] : memref<1x256xf32, #tpu.memory_space<vmem>>, vector<1x256xf32>
      tpu.vector_store %arg10[%swap3A_443, %swap3A_444], %add3A_442 {strides = array<i32>} : memref<1x256xf32, #tpu.memory_space<vmem>>, vector<1x256xf32>,
    } else {
    }
    %get3A = arith.constant 0 : index
    %get3A_2 = arith.constant 0 : index
    %get3A_3 = vector.load %arg10[%get3A, %get3A_2] : memref<1x256xf32, #tpu.memory_space<vmem>>, vector<1x256xf32>
    %broadcast_in_dim3A = vector.shape_cast %get3A_3 : vector<1x256xf32> to vector<1x256xf32>
    %broadcast_in_dim3A_4 = vector.broadcast %broadcast_in_dim3A : vector<1x256xf32> to vector<1024x256xf32>
    %get3A_5 = arith.constant 0 : index
    %get3A_6 = arith.constant 0 : index
    %get3A_7 = arith.constant 0 : index
    %get3A_8 = vector.load %arg1[%get3A_5, %get3A_6, %get3A_7] : memref<8x1024x64xbf16, #tpu.memory_space<vmem>>, vector<1x1024x64xbf16>
    %get3A_9 = vector.shape_cast %get3A_8 : vector<1x1024x64xbf16> to vector<1024x64xbf16>
    %get3A_10 = arith.constant 0 : index
    %get3A_11 = arith.constant 0 : index
    %get3A_12 = vector.load %arg2[%get3A_10, %get3A_11] : memref<64x256xbf16, #tpu.memory_space<vmem>>, vector<64x256xbf16>
    %dot_general3A = arith.constant dense<0.000000e+00> : vector<1024x256xf32>
    %dot_general3A_13 = tpu.matmul %get3A_9, %get3A_12, %dot_general3A {dimension_numbers = #tpu.dot_dimension_numbers<[1], [0], [0], [1], [0, 0, 1, 1], [], []>, transpose_lhs_hint = false} : vector<1024x64xbf16>, vector<64x256xbf16>, vector<1024x256xf32> -> vector<1024x256xf32>
    %get3A_14 = arith.constant 0 : index
    %get3A_15 = arith.constant 0 : index
    %get3A_16 = vector.load %arg3[%get3A_14, %get3A_15] : memref<1x256xf32, #tpu.memory_space<vmem>>, vector<1x256xf32>
    %add3A = vector.broadcast %get3A_16 : vector<1x256xf32> to vector<1024x256xf32>
    %add3A_17 = arith.addf %dot_general3A_13, %add3A : vector<1024x256xf32>
    %mul3A = arith.constant 5.000000e-01 : f32
    %mul3A_18 = vector.broadcast %mul3A : f32 to vector<1024x256xf32>
    %mul3A_19 = arith.mulf %mul3A_18, %add3A_17 : vector<1024x256xf32>
    %mul3A_20 = arith.constant 0.707106769 : f32
    %mul3A_21 = vector.broadcast %mul3A_20 : f32 to vector<1024x256xf32>
    %mul3A_22 = arith.mulf %add3A_17, %mul3A_21 : vector<1024x256xf32>
    %erf3A = math.erf %mul3A_22 : vector<1024x256xf32>
    %add3A_23 = arith.constant 1.000000e+00 : f32
    %add3A_24 = vector.broadcast %add3A_23 : f32 to vector<1024x256xf32>
    %add3A_25 = arith.addf %add3A_24, %erf3A : vector<1024x256xf32>
    %mul3A_26 = arith.mulf %mul3A_19, %add3A_25 : vector<1024x256xf32>
    %convert_element_type3A_27 = arith.truncf %mul3A_26 : vector<1024x256xf32> to vector<1024x256xbf16>
    %get3A_28 = arith.constant 0 : index
    %get3A_29 = arith.constant 0 : index
    %get3A_30 = arith.constant 0 : index
    %get3A_31 = vector.load %arg9[%get3A_28, %get3A_29, %get3A_30] : memref<8x256x256xbf16, #tpu.memory_space<vmem>>, vector<1x256x256xbf16>
    %get3A_32 = vector.shape_cast %get3A_31 : vector<1x256x256xbf16> to vector<256x256xbf16>
    %dot_general3A_33 = arith.constant dense<0.000000e+00> : vector<1024x256xf32>
    %dot_general3A_34 = tpu.matmul %convert_element_type3A_27, %get3A_32, %dot_general3A_33 {dimension_numbers = #tpu.dot_dimension_numbers<[1], [0], [0], [1], [0, 0, 1, 1], [], []>, transpose_lhs_hint = false} : vector<1024x256xbf16>, vector<256x256xbf16>, vector<1024x256xf32> -> vector<1024x256xf32>
    %add3A_35 = arith.addf %broadcast_in_dim3A_4, %dot_general3A_34 : vector<1024x256xf32>
    %get3A_36 = arith.constant 1 : index
    %get3A_37 = arith.constant 0 : index
    %get3A_38 = arith.constant 0 : index
    %get3A_39 = vector.load %arg1[%get3A_36, %get3A_37, %get3A_38] : memref<8x1024x64xbf16, #tpu.memory_space<vmem>>, vector<1x1024x64xbf16>
    %get3A_40 = vector.shape_cast %get3A_39 : vector<1x1024x64xbf16> to vector<1024x64xbf16>
    %get3A_41 = arith.constant 0 : index
    %get3A_42 = arith.constant 0 : index
    %get3A_43 = vector.load %arg2[%get3A_41, %get3A_42] : memref<64x256xbf16, #tpu.memory_space<vmem>>, vector<64x256xbf16>
    %dot_general3A_44 = arith.constant dense<0.000000e+00> : vector<1024x256xf32>
    %dot_general3A_45 = tpu.matmul %get3A_40, %get3A_43, %dot_general3A_44 {dimension_numbers = #tpu.dot_dimension_numbers<[1], [0], [0], [1], [0, 0, 1, 1], [], []>, transpose_lhs_hint = false} : vector<1024x64xbf16>, vector<64x256xbf16>, vector<1024x256xf32> -> vector<1024x256xf32>
    %get3A_46 = arith.constant 0 : index
    %get3A_47 = arith.constant 0 : index
    %get3A_48 = vector.load %arg3[%get3A_46, %get3A_47] : memref<1x256xf32, #tpu.memory_space<vmem>>, vector<1x256xf32>
    %add3A_49 = vector.broadcast %get3A_48 : vector<1x256xf32> to vector<1024x256xf32>
    %add3A_50 = arith.addf %dot_general3A_45, %add3A_49 : vector<1024x256xf32>
    %mul3A_51 = arith.constant 5.000000e-01 : f32
    %mul3A_52 = vector.broadcast %mul3A_51 : f32 to vector<1024x256xf32>
    %mul3A_53 = arith.mulf %mul3A_52, %add3A_50 : vector<1024x256xf32>
    %mul3A_54 = arith.constant 0.707106769 : f32
    %mul3A_55 = vector.broadcast %mul3A_54 : f32 to vector<1024x256xf32>
    %mul3A_56 = arith.mulf %add3A_50, %mul3A_55 : vector<1024x256xf32>
    %erf3A_57 = math.erf %mul3A_56 : vector<1024x256xf32>
    %add3A_58 = arith.constant 1.000000e+00 : f32
    %add3A_59 = vector.broadcast %add3A_58 : f32 to vector<1024x256xf32>
    %add3A_60 = arith.addf %add3A_59, %erf3A_57 : vector<1024x256xf32>
    %mul3A_61 = arith.mulf %mul3A_53, %add3A_60 : vector<1024x256xf32>
    %convert_element_type3A_62 = arith.truncf %mul3A_61 : vector<1024x256xf32> to vector<1024x256xbf16>
    %get3A_63 = arith.constant 1 : index
    %get3A_64 = arith.constant 0 : index
    %get3A_65 = arith.constant 0 : index
    %get3A_66 = vector.load %arg9[%get3A_63, %get3A_64, %get3A_65] : memref<8x256x256xbf16, #tpu.memory_space<vmem>>, vector<1x256x256xbf16>
    %get3A_67 = vector.shape_cast %get3A_66 : vector<1x256x256xbf16> to vector<256x256xbf16>
    %dot_general3A_68 = arith.constant dense<0.000000e+00> : vector<1024x256xf32>
    %dot_general3A_69 = tpu.matmul %convert_element_type3A_62, %get3A_67, %dot_general3A_68 {dimension_numbers = #tpu.dot_dimension_numbers<[1], [0], [0], [1], [0, 0, 1, 1], [], []>, transpose_lhs_hint = false} : vector<1024x256xbf16>, vector<256x256xbf16>, vector<1024x256xf32> -> vector<1024x256xf32>
    %add3A_70 = arith.addf %add3A_35, %dot_general3A_69 : vector<1024x256xf32>
    %get3A_71 = arith.constant 2 : index
    %get3A_72 = arith.constant 0 : index
    %get3A_73 = arith.constant 0 : index
    %get3A_74 = vector.load %arg1[%get3A_71, %get3A_72, %get3A_73] : memref<8x1024x64xbf16, #tpu.memory_space<vmem>>, vector<1x1024x64xbf16>
    %get3A_75 = vector.shape_cast %get3A_74 : vector<1x1024x64xbf16> to vector<1024x64xbf16>
    %get3A_76 = arith.constant 0 : index
    %get3A_77 = arith.constant 0 : index
    %get3A_78 = vector.load %arg2[%get3A_76, %get3A_77] : memref<64x256xbf16, #tpu.memory_space<vmem>>, vector<64x256xbf16>
    %dot_general3A_79 = arith.constant dense<0.000000e+00> : vector<1024x256xf32>
    %dot_general3A_80 = tpu.matmul %get3A_75, %get3A_78, %dot_general3A_79 {dimension_numbers = #tpu.dot_dimension_numbers<[1], [0], [0], [1], [0, 0, 1, 1], [], []>, transpose_lhs_hint = false} : vector<1024x64xbf16>, vector<64x256xbf16>, vector<1024x256xf32> -> vector<1024x256xf32>
    %get3A_81 = arith.constant 0 : index
    %get3A_82 = arith.constant 0 : index
    %get3A_83 = vector.load %arg3[%get3A_81, %get3A_82] : memref<1x256xf32, #tpu.memory_space<vmem>>, vector<1x256xf32>
    %add3A_84 = vector.broadcast %get3A_83 : vector<1x256xf32> to vector<1024x256xf32>
    %add3A_85 = arith.addf %dot_general3A_80, %add3A_84 : vector<1024x256xf32>
    %mul3A_86 = arith.constant 5.000000e-01 : f32
    %mul3A_87 = vector.broadcast %mul3A_86 : f32 to vector<1024x256xf32>
    %mul3A_88 = arith.mulf %mul3A_87, %add3A_85 : vector<1024x256xf32>
    %mul3A_89 = arith.constant 0.707106769 : f32
    %mul3A_90 = vector.broadcast %mul3A_89 : f32 to vector<1024x256xf32>
    %mul3A_91 = arith.mulf %add3A_85, %mul3A_90 : vector<1024x256xf32>
    %erf3A_92 = math.erf %mul3A_91 : vector<1024x256xf32>
    %add3A_93 = arith.constant 1.000000e+00 : f32
    %add3A_94 = vector.broadcast %add3A_93 : f32 to vector<1024x256xf32>
    %add3A_95 = arith.addf %add3A_94, %erf3A_92 : vector<1024x256xf32>
    %mul3A_96 = arith.mulf %mul3A_88, %add3A_95 : vector<1024x256xf32>
    %convert_element_type3A_97 = arith.truncf %mul3A_96 : vector<1024x256xf32> to vector<1024x256xbf16>
    %get3A_98 = arith.constant 2 : index
    %get3A_99 = arith.constant 0 : index
    %get3A_100 = arith.constant 0 : index
    %get3A_101 = vector.load %arg9[%get3A_98, %get3A_99, %get3A_100] : memref<8x256x256xbf16, #tpu.memory_space<vmem>>, vector<1x256x256xbf16>
    %get3A_102 = vector.shape_cast %get3A_101 : vector<1x256x256xbf16> to vector<256x256xbf16>
    %dot_general3A_103 = arith.constant dense<0.000000e+00> : vector<1024x256xf32>
    %dot_general3A_104 = tpu.matmul %convert_element_type3A_97, %get3A_102, %dot_general3A_103 {dimension_numbers = #tpu.dot_dimension_numbers<[1], [0], [0], [1], [0, 0, 1, 1], [], []>, transpose_lhs_hint = false} : vector<1024x256xbf16>, vector<256x256xbf16>, vector<1024x256xf32> -> vector<1024x256xf32>
    %add3A_105 = arith.addf %add3A_70, %dot_general3A_104 : vector<1024x256xf32>
    %get3A_106 = arith.constant 3 : index
    %get3A_107 = arith.constant 0 : index
    %get3A_108 = arith.constant 0 : index
    %get3A_109 = vector.load %arg1[%get3A_106, %get3A_107, %get3A_108] : memref<8x1024x64xbf16, #tpu.memory_space<vmem>>, vector<1x1024x64xbf16>
    %get3A_110 = vector.shape_cast %get3A_109 : vector<1x1024x64xbf16> to vector<1024x64xbf16>
    %get3A_111 = arith.constant 0 : index
    %get3A_112 = arith.constant 0 : index
    %get3A_113 = vector.load %arg2[%get3A_111, %get3A_112] : memref<64x256xbf16, #tpu.memory_space<vmem>>, vector<64x256xbf16>
    %dot_general3A_114 = arith.constant dense<0.000000e+00> : vector<1024x256xf32>
    %dot_general3A_115 = tpu.matmul %get3A_110, %get3A_113, %dot_general3A_114 {dimension_numbers = #tpu.dot_dimension_numbers<[1], [0], [0], [1], [0, 0, 1, 1], [], []>, transpose_lhs_hint = false} : vector<1024x64xbf16>, vector<64x256xbf16>, vector<1024x256xf32> -> vector<1024x256xf32>
    %get3A_116 = arith.constant 0 : index
    %get3A_117 = arith.constant 0 : index
    %get3A_118 = vector.load %arg3[%get3A_116, %get3A_117] : memref<1x256xf32, #tpu.memory_space<vmem>>, vector<1x256xf32>
    %add3A_119 = vector.broadcast %get3A_118 : vector<1x256xf32> to vector<1024x256xf32>
    %add3A_120 = arith.addf %dot_general3A_115, %add3A_119 : vector<1024x256xf32>
    %mul3A_121 = arith.constant 5.000000e-01 : f32
    %mul3A_122 = vector.broadcast %mul3A_121 : f32 to vector<1024x256xf32>
    %mul3A_123 = arith.mulf %mul3A_122, %add3A_120 : vector<1024x256xf32>
    %mul3A_124 = arith.constant 0.707106769 : f32
    %mul3A_125 = vector.broadcast %mul3A_124 : f32 to vector<1024x256xf32>
    %mul3A_126 = arith.mulf %add3A_120, %mul3A_125 : vector<1024x256xf32>
    %erf3A_127 = math.erf %mul3A_126 : vector<1024x256xf32>
    %add3A_128 = arith.constant 1.000000e+00 : f32
    %add3A_129 = vector.broadcast %add3A_128 : f32 to vector<1024x256xf32>
    %add3A_130 = arith.addf %add3A_129, %erf3A_127 : vector<1024x256xf32>
    %mul3A_131 = arith.mulf %mul3A_123, %add3A_130 : vector<1024x256xf32>
    %convert_element_type3A_132 = arith.truncf %mul3A_131 : vector<1024x256xf32> to vector<1024x256xbf16>
    %get3A_133 = arith.constant 3 : index
    %get3A_134 = arith.constant 0 : index
    %get3A_135 = arith.constant 0 : index
    %get3A_136 = vector.load %arg9[%get3A_133, %get3A_134, %get3A_135] : memref<8x256x256xbf16, #tpu.memory_space<vmem>>, vector<1x256x256xbf16>
    %get3A_137 = vector.shape_cast %get3A_136 : vector<1x256x256xbf16> to vector<256x256xbf16>
    %dot_general3A_138 = arith.constant dense<0.000000e+00> : vector<1024x256xf32>
    %dot_general3A_139 = tpu.matmul %convert_element_type3A_132, %get3A_137, %dot_general3A_138 {dimension_numbers = #tpu.dot_dimension_numbers<[1], [0], [0], [1], [0, 0, 1, 1], [], []>, transpose_lhs_hint = false} : vector<1024x256xbf16>, vector<256x256xbf16>, vector<1024x256xf32> -> vector<1024x256xf32>
    %add3A_140 = arith.addf %add3A_105, %dot_general3A_139 : vector<1024x256xf32>
    %get3A_141 = arith.constant 4 : index
    %get3A_142 = arith.constant 0 : index
    %get3A_143 = arith.constant 0 : index
    %get3A_144 = vector.load %arg1[%get3A_141, %get3A_142, %get3A_143] : memref<8x1024x64xbf16, #tpu.memory_space<vmem>>, vector<1x1024x64xbf16>
    %get3A_145 = vector.shape_cast %get3A_144 : vector<1x1024x64xbf16> to vector<1024x64xbf16>
    %get3A_146 = arith.constant 0 : index
    %get3A_147 = arith.constant 0 : index
    %get3A_148 = vector.load %arg2[%get3A_146, %get3A_147] : memref<64x256xbf16, #tpu.memory_space<vmem>>, vector<64x256xbf16>
    %dot_general3A_149 = arith.constant dense<0.000000e+00> : vector<1024x256xf32>
    %dot_general3A_150 = tpu.matmul %get3A_145, %get3A_148, %dot_general3A_149 {dimension_numbers = #tpu.dot_dimension_numbers<[1], [0], [0], [1], [0, 0, 1, 1], [], []>, transpose_lhs_hint = false} : vector<1024x64xbf16>, vector<64x256xbf16>, vector<1024x256xf32> -> vector<1024x256xf32>
    %get3A_151 = arith.constant 0 : index
    %get3A_152 = arith.constant 0 : index
    %get3A_153 = vector.load %arg3[%get3A_151, %get3A_152] : memref<1x256xf32, #tpu.memory_space<vmem>>, vector<1x256xf32>
    %add3A_154 = vector.broadcast %get3A_153 : vector<1x256xf32> to vector<1024x256xf32>
    %add3A_155 = arith.addf %dot_general3A_150, %add3A_154 : vector<1024x256xf32>
    %mul3A_156 = arith.constant 5.000000e-01 : f32
    %mul3A_157 = vector.broadcast %mul3A_156 : f32 to vector<1024x256xf32>
    %mul3A_158 = arith.mulf %mul3A_157, %add3A_155 : vector<1024x256xf32>
    %mul3A_159 = arith.constant 0.707106769 : f32
    %mul3A_160 = vector.broadcast %mul3A_159 : f32 to vector<1024x256xf32>
    %mul3A_161 = arith.mulf %add3A_155, %mul3A_160 : vector<1024x256xf32>
    %erf3A_162 = math.erf %mul3A_161 : vector<1024x256xf32>
    %add3A_163 = arith.constant 1.000000e+00 : f32
    %add3A_164 = vector.broadcast %add3A_163 : f32 to vector<1024x256xf32>
    %add3A_165 = arith.addf %add3A_164, %erf3A_162 : vector<1024x256xf32>
    %mul3A_166 = arith.mulf %mul3A_158, %add3A_165 : vector<1024x256xf32>
    %convert_element_type3A_167 = arith.truncf %mul3A_166 : vector<1024x256xf32> to vector<1024x256xbf16>
    %get3A_168 = arith.constant 4 : index
    %get3A_169 = arith.constant 0 : index
    %get3A_170 = arith.constant 0 : index
    %get3A_171 = vector.load %arg9[%get3A_168, %get3A_169, %get3A_170] : memref<8x256x256xbf16, #tpu.memory_space<vmem>>, vector<1x256x256xbf16>
    %get3A_172 = vector.shape_cast %get3A_171 : vector<1x256x256xbf16> to vector<256x256xbf16>
    %dot_general3A_173 = arith.constant dense<0.000000e+00> : vector<1024x256xf32>
    %dot_general3A_174 = tpu.matmul %convert_element_type3A_167, %get3A_172, %dot_general3A_173 {dimension_numbers = #tpu.dot_dimension_numbers<[1], [0], [0], [1], [0, 0, 1, 1], [], []>, transpose_lhs_hint = false} : vector<1024x256xbf16>, vector<256x256xbf16>, vector<1024x256xf32> -> vector<1024x256xf32>
    %add3A_175 = arith.addf %add3A_140, %dot_general3A_174 : vector<1024x256xf32>
    %get3A_176 = arith.constant 5 : index
    %get3A_177 = arith.constant 0 : index
    %get3A_178 = arith.constant 0 : index
    %get3A_179 = vector.load %arg1[%get3A_176, %get3A_177, %get3A_178] : memref<8x1024x64xbf16, #tpu.memory_space<vmem>>, vector<1x1024x64xbf16>
    %get3A_180 = vector.shape_cast %get3A_179 : vector<1x1024x64xbf16> to vector<1024x64xbf16>
    %get3A_181 = arith.constant 0 : index
    %get3A_182 = arith.constant 0 : index
    %get3A_183 = vector.load %arg2[%get3A_181, %get3A_182] : memref<64x256xbf16, #tpu.memory_space<vmem>>, vector<64x256xbf16>
    %dot_general3A_184 = arith.constant dense<0.000000e+00> : vector<1024x256xf32>
    %dot_general3A_185 = tpu.matmul %get3A_180, %get3A_183, %dot_general3A_184 {dimension_numbers = #tpu.dot_dimension_numbers<[1], [0], [0], [1], [0, 0, 1, 1], [], []>, transpose_lhs_hint = false} : vector<1024x64xbf16>, vector<64x256xbf16>, vector<1024x256xf32> -> vector<1024x256xf32>
    %get3A_186 = arith.constant 0 : index
    %get3A_187 = arith.constant 0 : index
    %get3A_188 = vector.load %arg3[%get3A_186, %get3A_187] : memref<1x256xf32, #tpu.memory_space<vmem>>, vector<1x256xf32>
    %add3A_189 = vector.broadcast %get3A_188 : vector<1x256xf32> to vector<1024x256xf32>
    %add3A_190 = arith.addf %dot_general3A_185, %add3A_189 : vector<1024x256xf32>
    %mul3A_191 = arith.constant 5.000000e-01 : f32
    %mul3A_192 = vector.broadcast %mul3A_191 : f32 to vector<1024x256xf32>
    %mul3A_193 = arith.mulf %mul3A_192, %add3A_190 : vector<1024x256xf32>
    %mul3A_194 = arith.constant 0.707106769 : f32
    %mul3A_195 = vector.broadcast %mul3A_194 : f32 to vector<1024x256xf32>
    %mul3A_196 = arith.mulf %add3A_190, %mul3A_195 : vector<1024x256xf32>
    %erf3A_197 = math.erf %mul3A_196 : vector<1024x256xf32>
    %add3A_198 = arith.constant 1.000000e+00 : f32
    %add3A_199 = vector.broadcast %add3A_198 : f32 to vector<1024x256xf32>
    %add3A_200 = arith.addf %add3A_199, %erf3A_197 : vector<1024x256xf32>
    %mul3A_201 = arith.mulf %mul3A_193, %add3A_200 : vector<1024x256xf32>
    %convert_element_type3A_202 = arith.truncf %mul3A_201 : vector<1024x256xf32> to vector<1024x256xbf16>
    %get3A_203 = arith.constant 5 : index
    %get3A_204 = arith.constant 0 : index
    %get3A_205 = arith.constant 0 : index
    %get3A_206 = vector.load %arg9[%get3A_203, %get3A_204, %get3A_205] : memref<8x256x256xbf16, #tpu.memory_space<vmem>>, vector<1x256x256xbf16>
    %get3A_207 = vector.shape_cast %get3A_206 : vector<1x256x256xbf16> to vector<256x256xbf16>
    %dot_general3A_208 = arith.constant dense<0.000000e+00> : vector<1024x256xf32>
    %dot_general3A_209 = tpu.matmul %convert_element_type3A_202, %get3A_207, %dot_general3A_208 {dimension_numbers = #tpu.dot_dimension_numbers<[1], [0], [0], [1], [0, 0, 1, 1], [], []>, transpose_lhs_hint = false} : vector<1024x256xbf16>, vector<256x256xbf16>, vector<1024x256xf32> -> vector<1024x256xf32>
    %add3A_210 = arith.addf %add3A_175, %dot_general3A_209 : vector<1024x256xf32>
    %get3A_211 = arith.constant 6 : index
    %get3A_212 = arith.constant 0 : index
    %get3A_213 = arith.constant 0 : index
    %get3A_214 = vector.load %arg1[%get3A_211, %get3A_212, %get3A_213] : memref<8x1024x64xbf16, #tpu.memory_space<vmem>>, vector<1x1024x64xbf16>
    %get3A_215 = vector.shape_cast %get3A_214 : vector<1x1024x64xbf16> to vector<1024x64xbf16>
    %get3A_216 = arith.constant 0 : index
    %get3A_217 = arith.constant 0 : index
    %get3A_218 = vector.load %arg2[%get3A_216, %get3A_217] : memref<64x256xbf16, #tpu.memory_space<vmem>>, vector<64x256xbf16>
    %dot_general3A_219 = arith.constant dense<0.000000e+00> : vector<1024x256xf32>
    %dot_general3A_220 = tpu.matmul %get3A_215, %get3A_218, %dot_general3A_219 {dimension_numbers = #tpu.dot_dimension_numbers<[1], [0], [0], [1], [0, 0, 1, 1], [], []>, transpose_lhs_hint = false} : vector<1024x64xbf16>, vector<64x256xbf16>, vector<1024x256xf32> -> vector<1024x256xf32>
    %get3A_221 = arith.constant 0 : index
    %get3A_222 = arith.constant 0 : index
    %get3A_223 = vector.load %arg3[%get3A_221, %get3A_222] : memref<1x256xf32, #tpu.memory_space<vmem>>, vector<1x256xf32>
    %add3A_224 = vector.broadcast %get3A_223 : vector<1x256xf32> to vector<1024x256xf32>
    %add3A_225 = arith.addf %dot_general3A_220, %add3A_224 : vector<1024x256xf32>
    %mul3A_226 = arith.constant 5.000000e-01 : f32
    %mul3A_227 = vector.broadcast %mul3A_226 : f32 to vector<1024x256xf32>
    %mul3A_228 = arith.mulf %mul3A_227, %add3A_225 : vector<1024x256xf32>
    %mul3A_229 = arith.constant 0.707106769 : f32
    %mul3A_230 = vector.broadcast %mul3A_229 : f32 to vector<1024x256xf32>
    %mul3A_231 = arith.mulf %add3A_225, %mul3A_230 : vector<1024x256xf32>
    %erf3A_232 = math.erf %mul3A_231 : vector<1024x256xf32>
    %add3A_233 = arith.constant 1.000000e+00 : f32
    %add3A_234 = vector.broadcast %add3A_233 : f32 to vector<1024x256xf32>
    %add3A_235 = arith.addf %add3A_234, %erf3A_232 : vector<1024x256xf32>
    %mul3A_236 = arith.mulf %mul3A_228, %add3A_235 : vector<1024x256xf32>
    %convert_element_type3A_237 = arith.truncf %mul3A_236 : vector<1024x256xf32> to vector<1024x256xbf16>
    %get3A_238 = arith.constant 6 : index
    %get3A_239 = arith.constant 0 : index
    %get3A_240 = arith.constant 0 : index
    %get3A_241 = vector.load %arg9[%get3A_238, %get3A_239, %get3A_240] : memref<8x256x256xbf16, #tpu.memory_space<vmem>>, vector<1x256x256xbf16>
    %get3A_242 = vector.shape_cast %get3A_241 : vector<1x256x256xbf16> to vector<256x256xbf16>
    %dot_general3A_243 = arith.constant dense<0.000000e+00> : vector<1024x256xf32>
    %dot_general3A_244 = tpu.matmul %convert_element_type3A_237, %get3A_242, %dot_general3A_243 {dimension_numbers = #tpu.dot_dimension_numbers<[1], [0], [0], [1], [0, 0, 1, 1], [], []>, transpose_lhs_hint = false} : vector<1024x256xbf16>, vector<256x256xbf16>, vector<1024x256xf32> -> vector<1024x256xf32>
    %add3A_245 = arith.addf %add3A_210, %dot_general3A_244 : vector<1024x256xf32>
    %get3A_246 = arith.constant 7 : index
    %get3A_247 = arith.constant 0 : index
    %get3A_248 = arith.constant 0 : index
    %get3A_249 = vector.load %arg1[%get3A_246, %get3A_247, %get3A_248] : memref<8x1024x64xbf16, #tpu.memory_space<vmem>>, vector<1x1024x64xbf16>
    %get3A_250 = vector.shape_cast %get3A_249 : vector<1x1024x64xbf16> to vector<1024x64xbf16>
    %get3A_251 = arith.constant 0 : index
    %get3A_252 = arith.constant 0 : index
    %get3A_253 = vector.load %arg2[%get3A_251, %get3A_252] : memref<64x256xbf16, #tpu.memory_space<vmem>>, vector<64x256xbf16>
    %dot_general3A_254 = arith.constant dense<0.000000e+00> : vector<1024x256xf32>
    %dot_general3A_255 = tpu.matmul %get3A_250, %get3A_253, %dot_general3A_254 {dimension_numbers = #tpu.dot_dimension_numbers<[1], [0], [0], [1], [0, 0, 1, 1], [], []>, transpose_lhs_hint = false} : vector<1024x64xbf16>, vector<64x256xbf16>, vector<1024x256xf32> -> vector<1024x256xf32>
    %get3A_256 = arith.constant 0 : index
    %get3A_257 = arith.constant 0 : index
    %get3A_258 = vector.load %arg3[%get3A_256, %get3A_257] : memref<1x256xf32, #tpu.memory_space<vmem>>, vector<1x256xf32>
    %add3A_259 = vector.broadcast %get3A_258 : vector<1x256xf32> to vector<1024x256xf32>
    %add3A_260 = arith.addf %dot_general3A_255, %add3A_259 : vector<1024x256xf32>
    %mul3A_261 = arith.constant 5.000000e-01 : f32
    %mul3A_262 = vector.broadcast %mul3A_261 : f32 to vector<1024x256xf32>
    %mul3A_263 = arith.mulf %mul3A_262, %add3A_260 : vector<1024x256xf32>
    %mul3A_264 = arith.constant 0.707106769 : f32
    %mul3A_265 = vector.broadcast %mul3A_264 : f32 to vector<1024x256xf32>
    %mul3A_266 = arith.mulf %add3A_260, %mul3A_265 : vector<1024x256xf32>
    %erf3A_267 = math.erf %mul3A_266 : vector<1024x256xf32>
    %add3A_268 = arith.constant 1.000000e+00 : f32
    %add3A_269 = vector.broadcast %add3A_268 : f32 to vector<1024x256xf32>
    %add3A_270 = arith.addf %add3A_269, %erf3A_267 : vector<1024x256xf32>
    %mul3A_271 = arith.mulf %mul3A_263, %add3A_270 : vector<1024x256xf32>
    %convert_element_type3A_272 = arith.truncf %mul3A_271 : vector<1024x256xf32> to vector<1024x256xbf16>
    %get3A_273 = arith.constant 7 : index
    %get3A_274 = arith.constant 0 : index
    %get3A_275 = arith.constant 0 : index
    %get3A_276 = vector.load %arg9[%get3A_273, %get3A_274, %get3A_275] : memref<8x256x256xbf16, #tpu.memory_space<vmem>>, vector<1x256x256xbf16>
    %get3A_277 = vector.shape_cast %get3A_276 : vector<1x256x256xbf16> to vector<256x256xbf16>
    %dot_general3A_278 = arith.constant dense<0.000000e+00> : vector<1024x256xf32>
    %dot_general3A_279 = tpu.matmul %convert_element_type3A_272, %get3A_277, %dot_general3A_278 {dimension_numbers = #tpu.dot_dimension_numbers<[1], [0], [0], [1], [0, 0, 1, 1], [], []>, transpose_lhs_hint = false} : vector<1024x256xbf16>, vector<256x256xbf16>, vector<1024x256xf32> -> vector<1024x256xf32>
    %add3A_280 = arith.addf %add3A_245, %dot_general3A_279 : vector<1024x256xf32>
    %convert_element_type3A_281 = arith.truncf %add3A_280 : vector<1024x256xf32> to vector<1024x256xbf16>
    %swap3A = arith.constant 0 : index
    %swap3A_282 = arith.constant 0 : index
    %swap3A_283 = vector.load %arg8[%swap3A, %swap3A_282] : memref<1024x256xbf16, #tpu.memory_space<vmem>>, vector<1024x256xbf16>
    tpu.vector_store %arg8[%swap3A, %swap3A_282], %convert_element_type3A_281 {strides = array<i32>} : memref<1024x256xbf16, #tpu.memory_space<vmem>>, vector<1024x256xbf16>,
    return
  }
  func.func @transform_0(%arg0: i32) -> (i32, i32, i32) {
    %c0_i32 = arith.constant 0 : i32
    %c0_i32_0 = arith.constant 0 : i32
    %c0_i32_1 = arith.constant 0 : i32
    return %c0_i32, %arg0, %c0_i32_0 : i32, i32, i32
  }
  func.func @transform_1(%arg0: i32) -> (i32, i32) {
    %c0_i32 = arith.constant 0 : i32
    %c0_i32_0 = arith.constant 0 : i32
    %c0_i32_1 = arith.constant 0 : i32
    return %c0_i32, %c0_i32_0 : i32, i32
  }
  func.func @transform_2(%arg0: i32) -> (i32, i32) {
    %c0_i32 = arith.constant 0 : i32
    %c0_i32_0 = arith.constant 0 : i32
    %c0_i32_1 = arith.constant 0 : i32
    return %c0_i32, %c0_i32_0 : i32, i32
  }
  func.func @transform_3(%arg0: i32) -> (i32, i32) {
    %c0_i32 = arith.constant 0 : i32
    %c0_i32_0 = arith.constant 0 : i32
    %c0_i32_1 = arith.constant 0 : i32
    return %c0_i32, %c0_i32_0 : i32, i32
  }
  func.func @transform_4(%arg0: i32) -> (i32, i32) {
    %c0_i32 = arith.constant 0 : i32
    %c0_i32_0 = arith.constant 0 : i32
    %c0_i32_1 = arith.constant 0 : i32
    return %c0_i32, %c0_i32_0 : i32, i32
  }
  func.func @transform_5(%arg0: i32) -> (i32, i32) {
    %c0_i32 = arith.constant 0 : i32
    %c0_i32_0 = arith.constant 0 : i32
    %c0_i32_1 = arith.constant 0 : i32
    return %c0_i32, %c0_i32_0 : i32, i32
  }
  func.func @transform_6(%arg0: i32) -> (i32, i32) {
    %c0_i32 = arith.constant 0 : i32
    %c0_i32_0 = arith.constant 0 : i32
    %c0_i32_1 = arith.constant 0 : i32
    return %c0_i32, %c0_i32_0 : i32, i32
  }
  func.func @transform_7(%arg0: i32) -> (i32, i32) {
    %c0_i32 = arith.constant 0 : i32
    %c0_i32_0 = arith.constant 0 : i32
    return %arg0, %c0_i32 : i32, i32
  }
}

module attributes {stable_mosaic.version = 14 : i64} {
  func.func @_combine_body(%arg0: i32, %arg1: memref<4096x256xbf16, #tpu.memory_space<vmem>>, %arg2: memref<2x4096x128xf32, #tpu.memory_space<vmem>>, %arg3: memref<2080x256xf32, #tpu.memory_space<vmem>>, %arg4: memref<2x4096x256xf32, #tpu.memory_space<vmem>>, %arg5: memref<2x4096xi32, #tpu.memory_space<vmem>>) attributes {dimension_semantics = [#tpu.dimension_semantics<arbitrary>], iteration_bounds = array<i64: 2>, scalar_prefetch = 0 : i64, scratch_operands = 0 : i64, tpu.core_type = #tpu.core_type<tc>, window_params = [{transform_indices = @transform_0, window_bounds = array<i64: 4096, 256>}, {transform_indices = @transform_1, window_bounds = array<i64: 2, 4096, 128>}, {pipeline_mode = #tpu.pipeline_mode<synchronous>, transform_indices = @transform_2, window_bounds = array<i64: 2080, 256>}, {transform_indices = @transform_3, window_bounds = array<i64: 2, 4096, 256>}, {transform_indices = @transform_4, window_bounds = array<i64: 2, 4096>}]} {
    %get3A = arith.constant 0 : index
    %get3A_0 = arith.constant 0 : index
    %get3A_1 = vector.load %arg1[%get3A, %get3A_0] : memref<4096x256xbf16, #tpu.memory_space<vmem>>, vector<4096x256xbf16>
    %convert_element_type3A = arith.extf %get3A_1 : vector<4096x256xbf16> to vector<4096x256xf32>
    %get3A_2 = arith.constant 0 : index
    %get3A_3 = arith.constant 0 : index
    %get3A_4 = vector.load %arg3[%get3A_2, %get3A_3] : memref<2080x256xf32, #tpu.memory_space<vmem>>, vector<1x256xf32>
    %get3A_5 = arith.constant 260 : index
    %get3A_6 = arith.constant 0 : index
    %get3A_7 = vector.load %arg3[%get3A_5, %get3A_6] : memref<2080x256xf32, #tpu.memory_space<vmem>>, vector<1x256xf32>
    %get3A_8 = arith.constant 520 : index
    %get3A_9 = arith.constant 0 : index
    %get3A_10 = vector.load %arg3[%get3A_8, %get3A_9] : memref<2080x256xf32, #tpu.memory_space<vmem>>, vector<1x256xf32>
    %get3A_11 = arith.constant 780 : index
    %get3A_12 = arith.constant 0 : index
    %get3A_13 = vector.load %arg3[%get3A_11, %get3A_12] : memref<2080x256xf32, #tpu.memory_space<vmem>>, vector<1x256xf32>
    %get3A_14 = arith.constant 1040 : index
    %get3A_15 = arith.constant 0 : index
    %get3A_16 = vector.load %arg3[%get3A_14, %get3A_15] : memref<2080x256xf32, #tpu.memory_space<vmem>>, vector<1x256xf32>
    %get3A_17 = arith.constant 1300 : index
    %get3A_18 = arith.constant 0 : index
    %get3A_19 = vector.load %arg3[%get3A_17, %get3A_18] : memref<2080x256xf32, #tpu.memory_space<vmem>>, vector<1x256xf32>
    %get3A_20 = arith.constant 1560 : index
    %get3A_21 = arith.constant 0 : index
    %get3A_22 = vector.load %arg3[%get3A_20, %get3A_21] : memref<2080x256xf32, #tpu.memory_space<vmem>>, vector<1x256xf32>
    %get3A_23 = arith.constant 1820 : index
    %get3A_24 = arith.constant 0 : index
    %get3A_25 = vector.load %arg3[%get3A_23, %get3A_24] : memref<2080x256xf32, #tpu.memory_space<vmem>>, vector<1x256xf32>
    %get3A_26 = arith.constant 1 : index
    %get3A_27 = arith.constant 0 : index
    %get3A_28 = vector.load %arg3[%get3A_26, %get3A_27] : memref<2080x256xf32, #tpu.memory_space<vmem>>, vector<1x256xf32>
    %get3A_29 = arith.constant 261 : index
    %get3A_30 = arith.constant 0 : index
    %get3A_31 = vector.load %arg3[%get3A_29, %get3A_30] : memref<2080x256xf32, #tpu.memory_space<vmem>>, vector<1x256xf32>
    %get3A_32 = arith.constant 521 : index
    %get3A_33 = arith.constant 0 : index
    %get3A_34 = vector.load %arg3[%get3A_32, %get3A_33] : memref<2080x256xf32, #tpu.memory_space<vmem>>, vector<1x256xf32>
    %get3A_35 = arith.constant 781 : index
    %get3A_36 = arith.constant 0 : index
    %get3A_37 = vector.load %arg3[%get3A_35, %get3A_36] : memref<2080x256xf32, #tpu.memory_space<vmem>>, vector<1x256xf32>
    %get3A_38 = arith.constant 1041 : index
    %get3A_39 = arith.constant 0 : index
    %get3A_40 = vector.load %arg3[%get3A_38, %get3A_39] : memref<2080x256xf32, #tpu.memory_space<vmem>>, vector<1x256xf32>
    %get3A_41 = arith.constant 1301 : index
    %get3A_42 = arith.constant 0 : index
    %get3A_43 = vector.load %arg3[%get3A_41, %get3A_42] : memref<2080x256xf32, #tpu.memory_space<vmem>>, vector<1x256xf32>
    %get3A_44 = arith.constant 1561 : index
    %get3A_45 = arith.constant 0 : index
    %get3A_46 = vector.load %arg3[%get3A_44, %get3A_45] : memref<2080x256xf32, #tpu.memory_space<vmem>>, vector<1x256xf32>
    %get3A_47 = arith.constant 1821 : index
    %get3A_48 = arith.constant 0 : index
    %get3A_49 = vector.load %arg3[%get3A_47, %get3A_48] : memref<2080x256xf32, #tpu.memory_space<vmem>>, vector<1x256xf32>
    %get3A_50 = arith.constant 2 : index
    %get3A_51 = arith.constant 0 : index
    %get3A_52 = vector.load %arg3[%get3A_50, %get3A_51] : memref<2080x256xf32, #tpu.memory_space<vmem>>, vector<1x256xf32>
    %get3A_53 = arith.constant 262 : index
    %get3A_54 = arith.constant 0 : index
    %get3A_55 = vector.load %arg3[%get3A_53, %get3A_54] : memref<2080x256xf32, #tpu.memory_space<vmem>>, vector<1x256xf32>
    %get3A_56 = arith.constant 522 : index
    %get3A_57 = arith.constant 0 : index
    %get3A_58 = vector.load %arg3[%get3A_56, %get3A_57] : memref<2080x256xf32, #tpu.memory_space<vmem>>, vector<1x256xf32>
    %get3A_59 = arith.constant 782 : index
    %get3A_60 = arith.constant 0 : index
    %get3A_61 = vector.load %arg3[%get3A_59, %get3A_60] : memref<2080x256xf32, #tpu.memory_space<vmem>>, vector<1x256xf32>
    %get3A_62 = arith.constant 1042 : index
    %get3A_63 = arith.constant 0 : index
    %get3A_64 = vector.load %arg3[%get3A_62, %get3A_63] : memref<2080x256xf32, #tpu.memory_space<vmem>>, vector<1x256xf32>
    %get3A_65 = arith.constant 1302 : index
    %get3A_66 = arith.constant 0 : index
    %get3A_67 = vector.load %arg3[%get3A_65, %get3A_66] : memref<2080x256xf32, #tpu.memory_space<vmem>>, vector<1x256xf32>
    %get3A_68 = arith.constant 1562 : index
    %get3A_69 = arith.constant 0 : index
    %get3A_70 = vector.load %arg3[%get3A_68, %get3A_69] : memref<2080x256xf32, #tpu.memory_space<vmem>>, vector<1x256xf32>
    %get3A_71 = arith.constant 1822 : index
    %get3A_72 = arith.constant 0 : index
    %get3A_73 = vector.load %arg3[%get3A_71, %get3A_72] : memref<2080x256xf32, #tpu.memory_space<vmem>>, vector<1x256xf32>
    %get3A_74 = arith.constant 3 : index
    %get3A_75 = arith.constant 0 : index
    %get3A_76 = vector.load %arg3[%get3A_74, %get3A_75] : memref<2080x256xf32, #tpu.memory_space<vmem>>, vector<1x256xf32>
    %get3A_77 = arith.constant 263 : index
    %get3A_78 = arith.constant 0 : index
    %get3A_79 = vector.load %arg3[%get3A_77, %get3A_78] : memref<2080x256xf32, #tpu.memory_space<vmem>>, vector<1x256xf32>
    %get3A_80 = arith.constant 523 : index
    %get3A_81 = arith.constant 0 : index
    %get3A_82 = vector.load %arg3[%get3A_80, %get3A_81] : memref<2080x256xf32, #tpu.memory_space<vmem>>, vector<1x256xf32>
    %get3A_83 = arith.constant 783 : index
    %get3A_84 = arith.constant 0 : index
    %get3A_85 = vector.load %arg3[%get3A_83, %get3A_84] : memref<2080x256xf32, #tpu.memory_space<vmem>>, vector<1x256xf32>
    %get3A_86 = arith.constant 1043 : index
    %get3A_87 = arith.constant 0 : index
    %get3A_88 = vector.load %arg3[%get3A_86, %get3A_87] : memref<2080x256xf32, #tpu.memory_space<vmem>>, vector<1x256xf32>
    %get3A_89 = arith.constant 1303 : index
    %get3A_90 = arith.constant 0 : index
    %get3A_91 = vector.load %arg3[%get3A_89, %get3A_90] : memref<2080x256xf32, #tpu.memory_space<vmem>>, vector<1x256xf32>
    %get3A_92 = arith.constant 1563 : index
    %get3A_93 = arith.constant 0 : index
    %get3A_94 = vector.load %arg3[%get3A_92, %get3A_93] : memref<2080x256xf32, #tpu.memory_space<vmem>>, vector<1x256xf32>
    %get3A_95 = arith.constant 1823 : index
    %get3A_96 = arith.constant 0 : index
    %get3A_97 = vector.load %arg3[%get3A_95, %get3A_96] : memref<2080x256xf32, #tpu.memory_space<vmem>>, vector<1x256xf32>
    %concatenate3A = tpu.concatenate %get3A_4, %get3A_7, %get3A_10, %get3A_13, %get3A_16, %get3A_19, %get3A_22, %get3A_25, %get3A_28, %get3A_31, %get3A_34, %get3A_37, %get3A_40, %get3A_43, %get3A_46, %get3A_49, %get3A_52, %get3A_55, %get3A_58, %get3A_61, %get3A_64, %get3A_67, %get3A_70, %get3A_73, %get3A_76, %get3A_79, %get3A_82, %get3A_85, %get3A_88, %get3A_91, %get3A_94, %get3A_97 in 0 : vector<1x256xf32>, vector<1x256xf32>, vector<1x256xf32>, vector<1x256xf32>, vector<1x256xf32>, vector<1x256xf32>, vector<1x256xf32>, vector<1x256xf32>, vector<1x256xf32>, vector<1x256xf32>, vector<1x256xf32>, vector<1x256xf32>, vector<1x256xf32>, vector<1x256xf32>, vector<1x256xf32>, vector<1x256xf32>, vector<1x256xf32>, vector<1x256xf32>, vector<1x256xf32>, vector<1x256xf32>, vector<1x256xf32>, vector<1x256xf32>, vector<1x256xf32>, vector<1x256xf32>, vector<1x256xf32>, vector<1x256xf32>, vector<1x256xf32>, vector<1x256xf32>, vector<1x256xf32>, vector<1x256xf32>, vector<1x256xf32>, vector<1x256xf32> -> vector<32x256xf32>
    %get3A_98 = arith.constant 0 : index
    %get3A_99 = arith.constant 0 : index
    %get3A_100 = arith.constant 0 : index
    %get3A_101 = vector.load %arg2[%get3A_98, %get3A_99, %get3A_100] : memref<2x4096x128xf32, #tpu.memory_space<vmem>>, vector<1x4096x128xf32>
    %get3A_102 = vector.shape_cast %get3A_101 : vector<1x4096x128xf32> to vector<4096x128xf32>
    %slice3A = vector.extract_strided_slice %get3A_102 {offsets = [0, 0], sizes = [4096, 32], strides = [1, 1]} : vector<4096x128xf32> to vector<4096x32xf32>
    %dot_general3A = arith.constant dense<0.000000e+00> : vector<4096x256xf32>
    %dot_general3A_103 = tpu.matmul %slice3A, %concatenate3A, %dot_general3A {dimension_numbers = #tpu.dot_dimension_numbers<[1], [0], [0], [1], [0, 0, 1, 1], [], []>, transpose_lhs_hint = false} : vector<4096x32xf32>, vector<32x256xf32>, vector<4096x256xf32> -> vector<4096x256xf32>
    %add3A = arith.addf %convert_element_type3A, %dot_general3A_103 : vector<4096x256xf32>
    %swap3A = arith.constant 0 : index
    %swap3A_104 = arith.constant 0 : index
    %swap3A_105 = arith.constant 0 : index
    %swap3A_106 = vector.load %arg4[%swap3A, %swap3A_104, %swap3A_105] : memref<2x4096x256xf32, #tpu.memory_space<vmem>>, vector<1x4096x256xf32>
    %swap3A_107 = vector.shape_cast %swap3A_106 : vector<1x4096x256xf32> to vector<4096x256xf32>
    %swap3A_108 = vector.shape_cast %add3A : vector<4096x256xf32> to vector<1x4096x256xf32>
    tpu.vector_store %arg4[%swap3A, %swap3A_104, %swap3A_105], %swap3A_108 {strides = array<i32>} : memref<2x4096x256xf32, #tpu.memory_space<vmem>>, vector<1x4096x256xf32>,
    %slice3A_109 = vector.extract_strided_slice %get3A_102 {offsets = [0, 32], sizes = [4096, 8], strides = [1, 1]} : vector<4096x128xf32> to vector<4096x8xf32>
    %reduce_max3A = arith.constant dense<0xFF800000> : vector<4096xf32>
    %reduce_max3A_110 = vector.multi_reduction <maximumf>, %slice3A_109, %reduce_max3A [1] : vector<4096x8xf32> to vector<4096xf32>
    %gt3A = arith.constant 5.000000e-01 : f32
    %gt3A_111 = vector.broadcast %gt3A : f32 to vector<4096xf32>
    %gt3A_112 = arith.cmpf ogt, %reduce_max3A_110, %gt3A_111 : vector<4096xf32>
    %convert_element_type3A_113 = arith.extui %gt3A_112 : vector<4096xi1> to vector<4096xi32>
    %reshape3A = vector.shape_cast %convert_element_type3A_113 : vector<4096xi32> to vector<1x4096xi32>
    %get3A_114 = arith.constant 1 : index
    %get3A_115 = arith.constant 0 : index
    %get3A_116 = arith.constant 0 : index
    %get3A_117 = vector.load %arg2[%get3A_114, %get3A_115, %get3A_116] : memref<2x4096x128xf32, #tpu.memory_space<vmem>>, vector<1x4096x128xf32>
    %get3A_118 = vector.shape_cast %get3A_117 : vector<1x4096x128xf32> to vector<4096x128xf32>
    %slice3A_119 = vector.extract_strided_slice %get3A_118 {offsets = [0, 0], sizes = [4096, 32], strides = [1, 1]} : vector<4096x128xf32> to vector<4096x32xf32>
    %dot_general3A_120 = arith.constant dense<0.000000e+00> : vector<4096x256xf32>
    %dot_general3A_121 = tpu.matmul %slice3A_119, %concatenate3A, %dot_general3A_120 {dimension_numbers = #tpu.dot_dimension_numbers<[1], [0], [0], [1], [0, 0, 1, 1], [], []>, transpose_lhs_hint = false} : vector<4096x32xf32>, vector<32x256xf32>, vector<4096x256xf32> -> vector<4096x256xf32>
    %add3A_122 = arith.addf %convert_element_type3A, %dot_general3A_121 : vector<4096x256xf32>
    %swap3A_123 = arith.constant 1 : index
    %swap3A_124 = arith.constant 0 : index
    %swap3A_125 = arith.constant 0 : index
    %swap3A_126 = vector.load %arg4[%swap3A_123, %swap3A_124, %swap3A_125] : memref<2x4096x256xf32, #tpu.memory_space<vmem>>, vector<1x4096x256xf32>
    %swap3A_127 = vector.shape_cast %swap3A_126 : vector<1x4096x256xf32> to vector<4096x256xf32>
    %swap3A_128 = vector.shape_cast %add3A_122 : vector<4096x256xf32> to vector<1x4096x256xf32>
    tpu.vector_store %arg4[%swap3A_123, %swap3A_124, %swap3A_125], %swap3A_128 {strides = array<i32>} : memref<2x4096x256xf32, #tpu.memory_space<vmem>>, vector<1x4096x256xf32>,
    %slice3A_129 = vector.extract_strided_slice %get3A_118 {offsets = [0, 32], sizes = [4096, 8], strides = [1, 1]} : vector<4096x128xf32> to vector<4096x8xf32>
    %reduce_max3A_130 = arith.constant dense<0xFF800000> : vector<4096xf32>
    %reduce_max3A_131 = vector.multi_reduction <maximumf>, %slice3A_129, %reduce_max3A_130 [1] : vector<4096x8xf32> to vector<4096xf32>
    %gt3A_132 = arith.constant 5.000000e-01 : f32
    %gt3A_133 = vector.broadcast %gt3A_132 : f32 to vector<4096xf32>
    %gt3A_134 = arith.cmpf ogt, %reduce_max3A_131, %gt3A_133 : vector<4096xf32>
    %convert_element_type3A_135 = arith.extui %gt3A_134 : vector<4096xi1> to vector<4096xi32>
    %reshape3A_136 = vector.shape_cast %convert_element_type3A_135 : vector<4096xi32> to vector<1x4096xi32>
    %concatenate3A_137 = tpu.concatenate %reshape3A, %reshape3A_136 in 0 : vector<1x4096xi32>, vector<1x4096xi32> -> vector<2x4096xi32>
    %swap3A_138 = arith.constant 0 : index
    %swap3A_139 = arith.constant 0 : index
    %swap3A_140 = vector.load %arg5[%swap3A_138, %swap3A_139] : memref<2x4096xi32, #tpu.memory_space<vmem>>, vector<2x4096xi32>
    tpu.vector_store %arg5[%swap3A_138, %swap3A_139], %concatenate3A_137 {strides = array<i32>} : memref<2x4096xi32, #tpu.memory_space<vmem>>, vector<2x4096xi32>,
    return
  }
  func.func @transform_0(%arg0: i32) -> (i32, i32) {
    %c0_i32 = arith.constant 0 : i32
    %c0_i32_0 = arith.constant 0 : i32
    return %arg0, %c0_i32 : i32, i32
  }
  func.func @transform_1(%arg0: i32) -> (i32, i32, i32) {
    %c0_i32 = arith.constant 0 : i32
    %c0_i32_0 = arith.constant 0 : i32
    %c0_i32_1 = arith.constant 0 : i32
    return %c0_i32, %arg0, %c0_i32_0 : i32, i32, i32
  }
  func.func @transform_2(%arg0: i32) -> (i32, i32) {
    %c0_i32 = arith.constant 0 : i32
    %c0_i32_0 = arith.constant 0 : i32
    %c0_i32_1 = arith.constant 0 : i32
    return %c0_i32, %c0_i32_0 : i32, i32
  }
  func.func @transform_3(%arg0: i32) -> (i32, i32, i32) {
    %c0_i32 = arith.constant 0 : i32
    %c0_i32_0 = arith.constant 0 : i32
    %c0_i32_1 = arith.constant 0 : i32
    return %c0_i32, %arg0, %c0_i32_0 : i32, i32, i32
  }
  func.func @transform_4(%arg0: i32) -> (i32, i32) {
    %c0_i32 = arith.constant 0 : i32
    %c0_i32_0 = arith.constant 0 : i32
    return %c0_i32, %arg0 : i32, i32
  }
}

</mosaic_0001>

<sc_bundles>
// kernel: kernel.5.cloned.1.call-start
scs
__scs_entry_jumppad:
0x0: {  	(pc) =	sbr.rel $0x88, $3  }
0x1: {  	(tag) =	ssettag $0x0;
	lr =	simm.s32 $0x1  }
0x2: {  	[smem:$0x3F99] =	sst lr;
	_ =	strace $0xD0000000  }
0x3: {  	_ = 	snop  }
0x4: {  	_ = 	snop  }
0x5: {  	_ = 	snop  }
0x6: {  	_ = 	snop  }
0x7: {  	_ = 	snop  }
__scs_overlays_trampoline_lowered:
0x8: {  	[smem:$0x3FA8] =	sst s0  }
0x9: {  	[smem:$0x3FA9] =	sst s1  }
0xa: {  	[smem:$0x3FAA] =	sst s2  }
0xb: {  	[smem:$0x3FAB] =	sst s3  }
0xc: {  	[smem:$0x3FAC] =	sst s4  }
0xd: {  	[smem:$0x3FAD] =	sst s5  }
0xe: {  	[smem:$0x3FAE] =	sst s6  }
0xf: {  	[smem:$0x3FAF] =	sst s7  }
0x10: {  	[smem:$0x3FB0] =	sst s8  }
0x11: {  	[smem:$0x3FB1] =	sst s9;
	s0 =	simm.s32 @!p0 $0x0  }
0x12: {  	s1 =	sld [smem:$0x3F97];
	s0 =	simm.s32 @p0 $0x1  }
0x13: {  	[smem:$0x3FB2] =	sst s0;
	s0 =	simm.s32 @!p1 $0x0  }
0x14: {  	s2 =	sld [smem:$0x3F96];
	s0 =	simm.s32 @p1 $0x1  }
0x15: {  	[smem:$0x3FB3] =	sst s0;
	s0 =	simm.s32 @!p2 $0x0  }
0x16: {  	s3 =	sld [smem:$0x3FDB];
	s0 =	simm.s32 @p2 $0x1  }
0x17: {  	s4 =	simm.s32 $0x1BF5;
	[smem:$0x3FB5] =	sst s0  }
0x18: {  	s0 =	sld [smem:$0x3F98];
	_ =	swait.ge [sflag:s4], $0x0  }
0x19: {  	s7 =	sld [smem:$0x3F99]  }
0x1a: {  	s8 =	sadd.s32 $0xFFFFE003, lr  }
0x1b: {  	s9 =	sadd.s32 $0xFFFFFEF7, lr;
	s5 =	simm.s32 $0xFFFFFFFF;
	p2 =	slt.u32 s8, $0xFFFFF086  }
0x1c: {  	p1 =	slt.u32 s9, $0xF7A;
	s5 =	simm.s32 @!p2 $0x0  }
0x1d: {  	s5 =	simm.s32 @p1 $0x1;
	p0 =	seq.s32 s7, s2  }
0x1e: {  	s7 =	smul.u32 @!p0 $0xF7A, s2;
	p2 =	seq.s32 @!p0 s5, $0x0  }
0x1f: {  	s9 =	smul.u32 $0xF7A, s1;
	s8 =	simm.s32 @!p0 $0x1BF5;
	p2 =	por !p2, p0  }
0x20: {  	[sflag:s8] =	ssyncset.s32 @!p0 $0xFFFFF086;
	s6 =	sadd.s32 @!p0 s3, s7;
	s7 =	simm.s32 @!p0 $0x108  }
0x21: {  	s3 =	sadd.s32 s3, s9;
	s6 =	sadd.s32 @!p0 $0x88, s6;
	s7 =	simm.s32 @p2 $0x1082  }
0x22: {  	[simem:s7], [sflag:s8] =	dma.local @!p0 [hbm:s6], $0xF7A  }
0x23: {  	s9 =	sor.u32 $0xD0000000, s2;
	s6 =	simm.s32 $0x108;
	_ =	swait.ge @!p0 [sflag:s8], $0x0  }
0x24: {  	s3 =	sadd.s32 $0x88, s3;
	s6 =	simm.s32 @!p1 $0x1082;
	[sflag:s4] =	ssyncset.s32 $0xFFFFF086  }
0x25: {  	[simem:s6], [sflag:s4] =	dma.local [hbm:s3], $0xF7A  }
0x26: {  	[smem:$0x3F99] =	sst s1;
	(tag) =	ssettag s2;
	_ =	strace s9  }
0x27: {  	s1 =	sld [smem:$0x3FA9]  }
0x28: {  	s2 =	sld [smem:$0x3FAA]  }
0x29: {  	s4 =	sld [smem:$0x3FAC]  }
0x2a: {  	p0 =	seq.s32 s5, $0x0;
	s5 =	sld [smem:$0x3FAD]  }
0x2b: {  	s6 =	sld [smem:$0x3FAE]  }
0x2c: {  	s7 =	sld [smem:$0x3FAF]  }
0x2d: {  	s3 =	simm.s32 $0x108;
	s8 =	sld [smem:$0x3FB0]  }
0x2e: {  	s3 =	simm.s32 @!p0 $0x1082;
	s9 =	sld [smem:$0x3FB1]  }
0x2f: {  	lr =	sadd.s32 s0, s3;
	s0 =	sld [smem:$0x3FA8]  }
0x30: {  	s3 =	sld [smem:$0x3FAB]  }
0x31: {  	[smem:$0x3FB4] =	sst s10  }
0x32: {  	s10 =	sld [smem:$0x3FB2];
	_ =	sdelay $0x3  }
0x33: {  	p0 =	seq.s32 s10, $0x1;
	s10 =	sld [smem:$0x3FB4];
	_ =	sdelay $0x3  }
0x34: {  	[smem:$0x3FB4] =	sst s10  }
0x35: {  	s10 =	sld [smem:$0x3FB3];
	_ =	sdelay $0x3  }
0x36: {  	p1 =	seq.s32 s10, $0x1;
	s10 =	sld [smem:$0x3FB4];
	_ =	sdelay $0x3  }
0x37: {  	[smem:$0x3FB4] =	sst s10  }
0x38: {  	s10 =	sld [smem:$0x3FB5]  }
0x39: {  	_ = 	snop;
	(pc) =	sbr.ind lr, $3  }
0x3a: {  	_ = 	snop  }
0x3b: {  	_ = 	snop  }
0x3c: {  	p2 =	seq.s32 s10, $0x1;
	s10 =	sld [smem:$0x3FB4]  }
0x3d: {  	_ =	shalt  }
0x3e: {  	_ =	shalt  }
0x3f: {  	_ =	shalt  }
0x40: {  	_ =	shalt  }
0x41: {  	_ =	shalt  }
0x42: {  	_ =	shalt  }
0x43: {  	_ =	shalt  }
0x44: {  	_ =	shalt  }
0x45: {  	_ =	shalt  }
0x46: {  	_ =	shalt  }
0x47: {  	_ =	shalt  }
0x48: {  	_ =	shalt  }
0x49: {  	_ =	shalt  }
0x4a: {  	_ =	shalt  }
0x4b: {  	_ =	shalt  }
0x4c: {  	_ =	shalt  }
0x4d: {  	_ =	shalt  }
0x4e: {  	_ =	shalt  }
0x4f: {  	_ =	shalt  }
0x50: {  	_ =	shalt  }
0x51: {  	_ =	shalt  }
0x52: {  	_ =	shalt  }
0x53: {  	_ =	shalt  }
0x54: {  	_ =	shalt  }
0x55: {  	_ =	shalt  }
0x56: {  	_ =	shalt  }
0x57: {  	_ =	shalt  }
0x58: {  	_ =	shalt  }
0x59: {  	_ =	shalt  }
0x5a: {  	_ =	shalt  }
0x5b: {  	_ =	shalt  }
0x5c: {  	_ =	shalt  }
0x5d: {  	_ =	shalt  }
0x5e: {  	_ =	shalt  }
0x5f: {  	_ =	shalt  }
0x60: {  	_ =	shalt  }
0x61: {  	_ =	shalt  }
0x62: {  	_ =	shalt  }
0x63: {  	_ =	shalt  }
0x64: {  	_ =	shalt  }
0x65: {  	_ =	shalt  }
0x66: {  	_ =	shalt  }
0x67: {  	_ =	shalt  }
0x68: {  	_ =	shalt  }
0x69: {  	_ =	shalt  }
0x6a: {  	_ =	shalt  }
0x6b: {  	_ =	shalt  }
0x6c: {  	_ =	shalt  }
0x6d: {  	_ =	shalt  }
0x6e: {  	_ =	shalt  }
0x6f: {  	_ =	shalt  }
0x70: {  	_ =	shalt  }
0x71: {  	_ =	shalt  }
0x72: {  	_ =	shalt  }
0x73: {  	_ =	shalt  }
0x74: {  	_ =	shalt  }
0x75: {  	_ =	shalt  }
0x76: {  	_ =	shalt  }
0x77: {  	_ =	shalt  }
0x78: {  	_ =	shalt  }
0x79: {  	_ =	shalt  }
0x7a: {  	_ =	shalt  }
0x7b: {  	_ =	shalt  }
0x7c: {  	_ =	shalt  }
0x7d: {  	_ =	shalt  }
0x7e: {  	_ =	shalt  }
0x7f: {  	_ =	shalt  }
0x80: {  	_ =	shalt  }
0x81: {  	_ =	shalt  }
0x82: {  	_ =	shalt  }
0x83: {  	_ =	shalt  }
0x84: {  	_ =	shalt  }
0x85: {  	_ =	shalt  }
0x86: {  	_ =	shalt  }
0x87: {  	_ =	shalt  }
.Lfunc_end0:
.L_simem_size_0:
called_computation_lowered:
.L_overlay_start_0:
0x88: {  	s2 =	sld [smem:$0x3FD9]  }
0x89: {  	s3 =	sld [smem:$0x3FFE];
	_ =	sdelay $0x1  }
0x8a: {  	s1 =	srdreg.scid  }
0x8b: {  	s0 =	sand.u32 $0x1, s1  }
0x8c: {  	s14 =	sshll.u32 s0, $0xA;
	s2 =	sadd.s32 s3, s2  }
0x8d: {  	s2 =	sadd.s32 s2, s14  }
0x8e: {  	[smem:$0x3FC0] =	sst s2  }
0x8f: {  	_ = 	snop  }
0x90: {  	s2 =	sld [smem:$0x3FD0];
	_ =	sdelay $0x2  }
0x91: {  	s15 =	simm.s32 $0xA;
	s4 =	simm.s32 $0x10  }
0x92: {  	[smem:s4], [sflag:s15] =	dma.local [hbm:s2], $0x1  }
0x93: {  	_ =	swait.eq [sflag:s15], $0x1  }
0x94: {  	[sflag:s15] =	ssyncset.done $0x0  }
0x95: {  	[sflag:s15] =	ssyncadd.s32 $0xFFFFFFFF  }
0x96: {  	s16 =	sld [smem:$0x10];
	(tm) =	ssettm $0x1  }
0x97: {  	s17 =	sld [smem:$0x3FFB];
	_ =	sdelay $0x3  }
0x98: {  	_ =	strace s17  }
0x99: {  	s3 =	sld [smem:$0x3FFC];
	_ =	sdelay $0x3  }
0x9a: {  	_ =	strace s3  }
0x9b: {  	s3 =	sld [smem:$0x3FFD];
	_ =	sdelay $0x3  }
0x9c: {  	_ =	strace s3  }
0x9d: {  	_ =	strace $0x8FFFFFFF  }
0x9e: {  	s18 =	sld [smem:$0x3FDB];
	_ =	sdelay $0x1  }
0x9f: {  	s19 =	simm.s32 $_scs_section_size  }
0xa0: {  	s5 =	simm.s32 $_size__tile_overlayer_lowered;
	s6 =	simm.s32 $_tile_overlayer_lowered  }
0xa1: {  	s22 =	simm.s32 $0x1BFF;
	s21 =	sshll.u32 s6, $0x1;
	s3 =	sadd.s32 s19, s18  }
0xa2: {  	s7 =	simm.s32 $0x0;
	s20 =	sshll.u32 s5, $0x1;
	s5 =	sadd.s32 s21, s3  }
0xa3: {  	[timem:s7], [sflag:s22] =	dma.local [hbm:s5], s20  }
0xa4: {  	_ =	swait.ge [sflag:s22], s20  }
0xa5: {  	s4 =	ssub.s32 $0x0, s20;
	[sflag:s22] =	ssyncset.done $0x0  }
0xa6: {  	[sflag:s22] =	ssyncadd.s32 s4;
	_ =	sdelay $0x1  }
0xa7: {  	s23 =	simm.s32 $0x1B8B  }
0xa8: {  	_ =	swait.ge [sflag:s23], $0x1  }
0xa9: {  	[sflag:s23] =	ssyncset.done $0x0  }
0xaa: {  	s25 =	simm.s32 $0x1B8E;
	s24 =	sld [smem:$0x3FFE];
	[sflag:s23] =	ssyncadd.s32 $0xFFFFFFFF  }
0xab: {  	s26 =	simm.s32 $execute0_lowered;
	[smem:$0x3FD2] =	sst s25  }
0xac: {  	s5 =	sshll.u32 s26, $0x1;
	_ =	strace $0x80000046;
	[dreg:$0x1] =	wrdreg $0xFFFFFFFF  }
0xad: {  	s28 =	simm.s32 $_size_execute0_lowered;
	s3 =	sadd.s32 s3, s5;
	[dreg:$0x0] =	wrdreg $0x0  }
0xae: {  	s5 =	sshll.u32 s28, $0x1;
	[dreg:$0x2] =	wrdreg s3  }
0xaf: {  	[dreg:$0x3] =	wrdreg s5  }
0xb0: {  	[dreg:$0x4] =	wrdreg $0xC0  }
0xb1: {  	_ =	task [dreg:s7], $0x5FFFF  }
0xb2: {  	[dreg:$0x1] =	wrdreg $0xFFFFFFFF  }
0xb3: {  	[dreg:$0x0] =	wrdreg $0x60  }
0xb4: {  	[dreg:$0x2] =	wrdreg s24  }
0xb5: {  	[dreg:$0x3] =	wrdreg s16  }
0xb6: {  	[dreg:$0x4] =	wrdreg $0x9  }
0xb7: {  	_ =	task.clear_ibuf [dreg:s7], $0x5FFFF;
	_ =	strace $0x90000046  }
0xb8: {  	s29 =	simm.s32 $0x9;
	_ =	strace $0x80000048  }
0xb9: {  	_ =	swait.ge [sflag:s29], $0x1  }
0xba: {  	[sflag:s29] =	ssyncadd.s32 $0xFFFFFFFF  }
0xbb: {  	_ =	strace $0x90000048  }
0xbc: {  	_ =	sfence  }
0xbd: {  	s30 =	sld [smem:$0x0];
	_ =	sdelay $0x2  }
0xbe: {  	s31 =	sshll.u32 s1, $0xD;
	s1 =	sshrl.u32 s1, $0x2  }
0xbf: {  	s3 =	sand.u32 $0x4000, s31;
	s1 =	sadd.s32 s1, s30  }
0xc0: {  	s0 =	sor.u32 s3, s0;
	s1 =	sshll.u32 s1, $0x11  }
0xc1: {  	s0 =	sor.u32 s1, s0  }
0xc2: {  	s0 =	sadd.s32 $0x8F2B, s0  }
0xc3: {  	[sflag:s0] =	ssyncadd.remote.s32 $0x1  }
0xc4: {  	_ =	sfence.sel $0xFFFF  }
0xc5: {  	[dreg:$0x0] =	wrdreg $0xFFFFFFFF;
	(pc) =	sbr.abs _section_cstart, $3  }
0xc6: {  	[dreg:$0x1] =	wrdreg $0xFFFFFFFF  }
0xc7: {  	_ =	task.clear_ibuf [dreg:s7], $0x2FFFF;
	_ =	strace $0x9FFFFFFF  }
0xc8: {  	(tm) =	ssettm $0x7FFFFFFF  }
0xc9: {  	_ =	shalt  }
tec
execute0_lowered:
.L_overlay_start_1:
0x0: {  	(tag) =	ssettag $0x1  }
0x1: {  	s0 =	stileid.u32  }
0x2: {  	s1 =	srdreg.scid;
	s2 =	sshll.u32 s0, $0x1  }
0x3: {  	s5 =	sand.u32 $0x1, s1;
	s6 =	sand.u32 $0xE, s2  }
0x4: {  	s6 =	sor.u32 s5, s6  }
0x5: {  	p0 =	seq.s32 s6, $0xF  }
.Ltmp0:
0x6: {  	_ = 	snop;
	(pc) =	sbr.rel @p0 .LBB2_5-.Ltmp0, $4  }
0x7: {  	s3 =	rddreg [dreg:$0x0]  }
0x8: {  	s4 =	rddreg [dreg:$0x1];
	s2 =	simm.s32 $0x0  }
0x9: {  	[smem:$0x7FF] =	sst s2  }
0xa: {  	s1 =	rddreg [dreg:$0x2];
	_ =	strace $0x80000047  }
0xb: {  	s7 =	smul.u32 $0x56, s6  }
0xc: {  	s8 =	sshrl.u32 s0, $0x3  }
0xd: {  	s9 =	smul.u32 $0x50000, s8;
	s7 =	sshrl.u32 s7, $0x8  }
0xe: {  	s29 =	sadd.s32 $0x15600, s3;
	s5 =	ssub.s32 $0x2, s5;
	s10 =	smul.u32 $0x3, s7  }
0xf: {  	s12 =	simm.s32 $0x0;
	s8 =	smul.u32 $0x101000, s8;
	s30 =	sshrl.u32 s5, $0x1  }
0x10: {  	s31 =	ssub.s32 s5, s30;
	s11 =	sshll.u32 s7, $0x10;
	s26 =	ssub.s32 s6, s10  }
0x11: {  	s4 =	sadd.s32 s7, s4;
	s9 =	sadd.s32 s9, s11;
	s6 =	sand.u32 $0xFF, s26  }
0x12: {  	s7 =	simm.s32 $0x1;
	s9 =	sshrl.u32 s9, $0x3;
	s28 =	smul.u32 $0x55800, s6  }
0x13: {  	s11 =	simm.s32 $0x80;
	s9 =	sadd.s32 s9, s3;
	s6 =	smul.u32 $0xAB0, s6  }
0x14: {  	v1 =	vlaneseq.u32;
	s10 =	simm.s32 $0x8;
	s3 =	sadd.s32 $0x1600, s9;
	s8 =	sadd.s32 s8, s28  }
0x15: {  	v0 =	vshrl.u32 v1, $0x3;
	s9 =	simm.s32 $0x15580;
	s5 =	sadd.s32 s29, s6;
	s8 =	sshrl.u32 s8, $0x3  }
0x16: {  	v1 =	vand.u32 $0x7, v1;
	v0 =	vmul.u32 $0x8, v0;
	s6 =	smax.u32 s31, $0x1;
	s4 =	sadd.s32 s8, s4;
	s8 =	simm.s32 $0x5580  }
.LBB2_2:
0x17: {  	[tilespmem:s2], [sflag:$0x1] =	stream.linear.gather [hbm4b:s5+s2], $0x5580, $0x38;
	[tilespmem:$0x1AB00] =	vst v63  }
0x18: {  	_ =	swait.ge [sflag:s7], $0x5580  }
0x19: {  	[sflag:s7] =	ssyncset.done $0x0  }
0x1a: {  	[sflag:s7] =	ssyncadd.s32 $0xFFFFAA80  }
0x1b: {  	[tilespmem:s8], [sflag:$0x1] =	stream.linear.gather [hbm4b:s3+s2], $0x10000, $0x38;
	[tilespmem:$0x1AB00] =	vst v63  }
0x1c: {  	_ =	swait.ge [sflag:s7], $0x10000  }
0x1d: {  	[sflag:s7] =	ssyncset.done $0x0  }
0x1e: {  	s13 =	simm.s32 $0x20;
	[sflag:s7] =	ssyncadd.s32 $0xFFFF0000  }
0x1f: {  	v2 =	vld [tilespmem:s13+$0x10]  }
0x20: {  	v8 =	vld [tilespmem:s13+$0xFFFFFFF0]  }
0x21: {  	v9 =	vld [tilespmem:s13+$0x0]  }
0x22: {  	s14 =	simm.s32 $0x6  }
0x23: {  	s26 =	simm.s32 $0x60;
	v3 =	vmov s14;
	v5 =	vld [tilespmem:s13+$0xFFFFFFE0]  }
0x24: {  	s16 =	simm.s32 $0x4;
	v3 =	vshll.u32 v3, $0x3;
	v11 =	vld [tilespmem:s26+$0x10]  }
0x25: {  	s15 =	simm.s32 $0x2;
	v10 =	vmov s16;
	v6 =	vor.u32 v0, v3;
	v3 =	vld [tilespmem:s26+$0xFFFFFFF0]  }
0x26: {  	v4 =	vmov s15;
	v14 =	vor.u32 v1, v6;
	v6 =	vshll.u32 v10, $0x3;
	v10 =	vld [tilespmem:s26+$0xFFFFFFE0]  }
0x27: {  	s28 =	simm.s32 $0x0;
	s29 =	simm.s32 $0x8;
	v4 =	vshll.u32 v4, $0x3;
	v13 =	vld.idx.msk [tilespmem:v2+s8+$0x0], $0xffff  }
0x28: {  	v16 =	vmov s29;
	v12 =	vor.u32 v0, v4;
	s13 =	simm.s32 $0xE;
	v2 =	vmov s28;
	v8 =	vld.idx.msk [tilespmem:v8+s8+$0x0], $0xffff  }
0x29: {  	v6 =	vor.u32 v0, v6;
	v15 =	vmov s13;
	v9 =	vld.idx.msk [tilespmem:v9+s8+$0x0], $0xffff;
	v7 =	vshll.u32 v2, $0x3  }
0x2a: {  	v6 =	vor.u32 v1, v6;
	v15 =	vshll.u32 v15, $0x3;
	v2 =	vld [tilespmem:s26+$0x0];
	v7 =	vor.u32 v0, v7  }
0x2b: {  	s30 =	simm.s32 $0xA;
	s31 =	simm.s32 $0xC;
	v15 =	vor.u32 v0, v15;
	v4 =	vor.u32 v1, v7;
	v7 =	vld.idx.msk [tilespmem:v5+s8+$0x0], $0xffff;
	v5 =	vor.u32 v1, v12  }
0x2c: {  	s14 =	simm.s32 $0x4;
	s15 =	simm.s32 $0xA0;
	v11 =	vld.idx.msk [tilespmem:v11+s8+$0x0], $0xffff;
	v12 =	vmov s30;
	[tilespmem:v14+s9+$0x0] =	vst.idx.msk $0xffff, v13;
	v13 =	vshll.u32 v16, $0x3;
	v14 =	vmov s31  }
.LBB2_3:
0x2d: {  	v16 =	vld [tilespmem:s15+$0x10];
	s14 =	sadd.s32 $0x4, s14;
	v12 =	vshll.u32 v12, $0x3;
	v14 =	vshll.u32 v14, $0x3;
	v15 =	vor.u32 v1, v15  }
0x2e: {  	v13 =	vor.u32 v0, v13;
	v17 =	vld [tilespmem:s15+$0xFFFFFFF0];
	p0 =	slt.u32 s14, $0x554;
	v12 =	vor.u32 v0, v12;
	v14 =	vor.u32 v0, v14  }
0x2f: {  	v13 =	vor.u32 v1, v13;
	v18 =	vld [tilespmem:s15+$0x0];
	v12 =	vor.u32 v1, v12;
	v14 =	vor.u32 v1, v14  }
0x30: {  	v19 =	vld [tilespmem:s15+$0xFFFFFFE0];
	[tilespmem:v4+s9+$0x0] =	vst.idx.msk $0xffff, v7;
	v4 =	vmov v13  }
.Ltmp1:
0x31: {  	v7 =	vld.idx.msk [tilespmem:v10+s8+$0x0], $0xffff;
	[tilespmem:v5+s9+$0x0] =	vst.idx.msk $0xffff, v8;
	v5 =	vmov v12;
	(pc) =	sbr.rel @p0 .LBB2_3-.Ltmp1, $4  }
0x32: {  	s13 =	sadd.s32 $0x8, s13;
	v8 =	vld.idx.msk [tilespmem:v3+s8+$0x0], $0xffff;
	[tilespmem:v15+s9+$0x0] =	vst.idx.msk $0xffff, v11  }
0x33: {  	s16 =	sadd.s32 $0xFFFFFFFA, s13;
	s17 =	sadd.s32 $0xFFFFFFFC, s13;
	s18 =	sadd.s32 $0xFFFFFFFE, s13;
	v20 =	vmov s13;
	[tilespmem:v6+s9+$0x0] =	vst.idx.msk $0xffff, v9;
	v9 =	vld.idx.msk [tilespmem:v2+s8+$0x0], $0xffff;
	v3 =	vmov v17;
	v6 =	vmov v14  }
0x34: {  	v12 =	vmov s17;
	v11 =	vmov s16;
	v17 =	vshll.u32 v20, $0x3;
	v2 =	vmovc v18  }
0x35: {  	s15 =	sadd.s32 $0x40, s15;
	v13 =	vshll.u32 v11, $0x3;
	v14 =	vmov s18;
	v15 =	vor.u32 v0, v17;
	v11 =	vld.idx.msk [tilespmem:v16+s8+$0x0], $0xffff;
	v10 =	vmovc v19  }
0x36: {  	_ =	sdelay $0x2  }
0x37: {  	v15 =	vor.u32 v1, v15;
	v12 =	vshll.u32 v12, $0x3;
	v13 =	vor.u32 v0, v13  }
0x38: {  	v14 =	vshll.u32 v14, $0x3;
	v10 =	vld.idx.msk [tilespmem:v10+s8+$0x0], $0xffff;
	v12 =	vor.u32 v0, v12;
	v13 =	vor.u32 v1, v13  }
0x39: {  	[tilespmem:v4+s9+$0x0] =	vst.idx.msk $0xffff, v7;
	v3 =	vld.idx.msk [tilespmem:v3+s8+$0x0], $0xffff;
	v14 =	vor.u32 v0, v14;
	v12 =	vor.u32 v1, v12  }
0x3a: {  	v2 =	vld.idx.msk [tilespmem:v2+s8+$0x0], $0xffff;
	[tilespmem:v5+s9+$0x0] =	vst.idx.msk $0xffff, v8;
	v63 =	vor.u32 v1, v14  }
0x3b: {  	[tilespmem:v6+s9+$0x0] =	vst.idx.msk $0xffff, v9  }
0x3c: {  	[tilespmem:v15+s9+$0x0] =	vst.idx.msk $0xffff, v11  }
0x3d: {  	s12 =	sadd.s32 $0x1, s12;
	[tilespmem:v13+s9+$0x0] =	vst.idx.msk $0xffff, v10  }
0x3e: {  	p0 =	sne.s32 s12, s6;
	[tilespmem:v12+s9+$0x0] =	vst.idx.msk $0xffff, v3  }
.Ltmp2:
0x3f: {  	[tilespmem:v63+s9+$0x0] =	vst.idx.msk $0xffff, v2;
	(pc) =	sbr.rel @p0 .LBB2_2-.Ltmp2, $4  }
0x40: {  	[hbm4b:s4+s10] =	stream.strided.scatter [tilespmem:s9], [sflag:$0x1], $0x5580, s11, s10, $0x38;
	[tilespmem:$0x1AB00] =	vst v63  }
0x41: {  	_ =	swait.ge [sflag:s7], $0x5580  }
0x42: {  	[sflag:s7] =	ssyncset.done $0x0  }
0x43: {  	[sflag:s7] =	ssyncadd.s32 $0xFFFFAA80  }
.LBB2_5:
0x44: {  	_ =	sfence.sel $0x180000  }
0x45: {  	[bflag:$0x0] =	sbarrier.arrive $0xFFFF  }
0x46: {  	p0 =	sne.s32 s0, $0x0;
	_ =	strace $0x90000047  }
0x47: {  	s0 =	sadd.s32 @!p0 $0x100000, s1;
	[bflag:$0x2] =	sbarrier.arrive $0xFFFF  }
0x48: {  	[sflag:s0] =	ssyncadd.tile.s32 @!p0 $0x1;
	_ =	shalt  }
.Lfunc_end2:
_tile_overlayer_lowered:
.L_overlay_start_2:
0x49: {  	(tag) =	ssettag $0x2  }
0x4a: {  	s0 =	rddreg [dreg:$0x0];
	s2 =	stileid.u32  }
0x4b: {  	s1 =	rddreg [dreg:$0x1];
	p0 =	sne.s32 s2, $0x0  }
0x4c: {  	s3 =	rddreg [dreg:$0x2];
	[bflag:$0x3] =	sbarrier.arrive $0xFFFF;
	s2 =	simm.s32 @!p0 $0x1C01  }
0x4d: {  	[timem:s3], [sflag:s2] =	dma.local @!p0 [hbm:s0], s1  }
0x4e: {  	s0 =	simm.s32 @!p0 $0x1  }
0x4f: {  	_ =	swait.ge @!p0 [sflag:s0], s1  }
0x50: {  	s1 =	ssub.s32 @!p0 $0x0, s1;
	[sflag:s0] =	ssyncset.done @!p0 $0x0  }
0x51: {  	[sflag:s0] =	ssyncadd.s32 @!p0 s1  }
0x52: {  	[bflag:$0x3] =	sbarrier.arrive $0xFFFF  }
0x53: {  	_ =	shalt  }

</sc_bundles>
